<compile_context>
chip_gen: v7x
topology: tpu7x:2x2x1
jax: 0.10.2.dev20260603
libtpu: 0.0.44.dev20260713+nightly
codegen_flags: <defaults>
</compile_context>

<pallas_src>
import functools

import jax
import jax.numpy as jnp
from jax import lax
from jax.experimental import pallas as pl
from jax.experimental.pallas import tpu as pltpu
from jax.experimental.pallas import tpu_sc as plsc

N_NODES = 100000
N_EDGES = 1600000
D = 128
DE = 16
B = 4096
K = 32
BK = B * K

NC = 2
NS = 16
NW = NC * NS

NB_PER_W = BK // NW
NB_CH = 128
NB_NCH = NB_PER_W // NB_CH
EF_PER_W = BK // NW
EF_CH = 1024
EF_NCH = EF_PER_W // EF_CH
SRC_PER_W = B // NW

_sc_mesh = functools.partial(
    pl.kernel,
    mesh=plsc.VectorSubcoreMesh(core_axis_name="c", subcore_axis_name="s"),
)


@functools.partial(
    _sc_mesh,
    compiler_params=pltpu.CompilerParams(use_tc_tiling_on_sc=False),
    out_type=(
        jax.ShapeDtypeStruct((BK, D), jnp.float32),
        jax.ShapeDtypeStruct((B, D), jnp.float32),
    ),
    scratch_types=[
        pltpu.VMEM((NB_PER_W,), jnp.int32),
        pltpu.VMEM((SRC_PER_W,), jnp.int32),
        pltpu.VMEM((NB_CH, D), jnp.float32),
        pltpu.VMEM((SRC_PER_W, D), jnp.float32),
        pltpu.SemaphoreType.DMA,
    ],
)
def _k1n_gather(nf_hbm, nidx_hbm, n0_hbm, nb_hbm, src_hbm,
                nidx_v, sidx_v, nbuf, sbuf, sem):
    wid = lax.axis_index("s") * NC + lax.axis_index("c")
    base = wid * NB_PER_W
    pltpu.sync_copy(nidx_hbm.at[pl.ds(base, NB_PER_W)], nidx_v)
    pltpu.sync_copy(n0_hbm.at[pl.ds(wid * SRC_PER_W, SRC_PER_W)], sidx_v)

    def nb_body(c, carry):
        off = c * NB_CH
        pltpu.async_copy(nf_hbm.at[nidx_v.at[pl.ds(off, NB_CH)]], nbuf, sem).wait()
        pltpu.sync_copy(nbuf, nb_hbm.at[pl.ds(base + off, NB_CH)])
        return carry

    lax.fori_loop(0, NB_NCH, nb_body, 0)

    pltpu.async_copy(nf_hbm.at[sidx_v], sbuf, sem).wait()
    pltpu.sync_copy(sbuf, src_hbm.at[pl.ds(wid * SRC_PER_W, SRC_PER_W)])


@functools.partial(
    _sc_mesh,
    compiler_params=pltpu.CompilerParams(use_tc_tiling_on_sc=False),
    out_type=jax.ShapeDtypeStruct((BK, DE), jnp.float32),
    scratch_types=[
        pltpu.VMEM((EF_PER_W,), jnp.int32),
        pltpu.VMEM((EF_CH, DE), jnp.float32),
        pltpu.SemaphoreType.DMA,
    ],
)
def _k1e_gather(et_hbm, eidx_hbm, efg_hbm, eidx_v, ebuf, sem):
    wid = lax.axis_index("s") * NC + lax.axis_index("c")
    base = wid * EF_PER_W
    pltpu.sync_copy(eidx_hbm.at[pl.ds(base, EF_PER_W)], eidx_v)

    def ef_body(c, carry):
        off = c * EF_CH
        pltpu.async_copy(et_hbm.at[eidx_v.at[pl.ds(off, EF_CH)]], ebuf, sem).wait()
        pltpu.sync_copy(ebuf, efg_hbm.at[pl.ds(base + off, EF_CH)])
        return carry

    lax.fori_loop(0, EF_NCH, ef_body, 0)


TR_COLS = 12800


def _k0_body(et_ref, out_ref):
    out_ref[...] = et_ref[...].T


def _k0_transpose(et):
    return pl.pallas_call(
        _k0_body,
        grid=(N_EDGES // TR_COLS,),
        in_specs=[pl.BlockSpec((DE, TR_COLS), lambda i: (0, i))],
        out_specs=pl.BlockSpec((TR_COLS, DE), lambda i: (i, 0)),
        out_shape=jax.ShapeDtypeStruct((N_EDGES, DE), jnp.float32),
    )(et)


BB = 256
N_BLK = B // BB


def _k2_body(n0all_ref, nb_ref, eft_ref, dt_ref, w_ref, src_ref, n0b_ref,
             tw_ref, tb_ref, W1_ref, b1_ref, W2_ref, b2_ref,
             out_ref, win_ref):
    nb = nb_ref[...].reshape(K * BB, D)
    ef = eft_ref[...].reshape(K * BB, DE)
    W1 = W1_ref[...]
    hf = (
        jnp.dot(nb, W1[:D], preferred_element_type=jnp.float32)
        + jnp.dot(ef, W1[D:D + DE], preferred_element_type=jnp.float32)
        + b1_ref[...]
    )
    h3 = hf.reshape(K, BB, D)
    W1t = W1[D + DE:]
    tw = tw_ref[...]
    tb = tb_ref[...]
    dt = dt_ref[...]
    w = w_ref[...]
    wsum = jnp.sum(w, axis=1, keepdims=True)
    inv = jnp.where(wsum == 0.0, 0.0, 1.0 / jnp.where(wsum == 0.0, 1.0, wsum))
    agg = jnp.zeros((BB, D), jnp.float32)
    for k in range(K):
        te_k = jnp.cos(dt[:, k:k + 1] * tw + tb)
        h_k = h3[k] + jnp.dot(te_k, W1t, preferred_element_type=jnp.float32)
        h_k = jnp.maximum(h_k, 0.0)
        agg = agg + h_k * (w[:, k:k + 1] * inv)
    W2 = W2_ref[...]
    o = (
        jnp.dot(src_ref[...], W2[:D], preferred_element_type=jnp.float32)
        + jnp.dot(agg, W2[D:], preferred_element_type=jnp.float32)
        + b2_ref[...]
    )
    out_ref[...] = jnp.maximum(o, 0.0)
    n0a = n0all_ref[...].reshape(B, 1)
    mine = n0b_ref[...].reshape(1, BB)
    eq = n0a == mine
    pos = lax.broadcasted_iota(jnp.int32, (B, BB), 0)
    win_ref[...] = jnp.max(jnp.where(eq, pos, -1), axis=0, keepdims=True)


def _k2_compute(n0all, nb, ef, dt, w, src, tw, tb, W1, b1, W2, b2):
    return pl.pallas_call(
        _k2_body,
        grid=(N_BLK,),
        in_specs=[
            pl.BlockSpec((1, B), lambda i: (0, 0)),
            pl.BlockSpec((K, BB, D), lambda i: (0, i, 0)),
            pl.BlockSpec((K, BB, DE), lambda i: (0, i, 0)),
            pl.BlockSpec((BB, K), lambda i: (i, 0)),
            pl.BlockSpec((BB, K), lambda i: (i, 0)),
            pl.BlockSpec((BB, D), lambda i: (i, 0)),
            pl.BlockSpec((1, BB), lambda i: (0, i)),
            pl.BlockSpec((1, D), lambda i: (0, 0)),
            pl.BlockSpec((1, D), lambda i: (0, 0)),
            pl.BlockSpec((D + DE + D, D), lambda i: (0, 0)),
            pl.BlockSpec((1, D), lambda i: (0, 0)),
            pl.BlockSpec((2 * D, D), lambda i: (0, 0)),
            pl.BlockSpec((1, D), lambda i: (0, 0)),
        ],
        out_specs=[
            pl.BlockSpec((BB, D), lambda i: (i, 0)),
            pl.BlockSpec((1, BB), lambda i: (0, i)),
        ],
        out_shape=[
            jax.ShapeDtypeStruct((B, D), jnp.float32),
            jax.ShapeDtypeStruct((1, B), jnp.int32),
        ],
    )(n0all, nb, ef, dt, w, src, n0all, tw, tb, W1, b1, W2, b2)


COPY_ROWS = 5000


def _k3_body(in_ref, out_ref):
    out_ref[...] = in_ref[...]


def _k3_copy(nf):
    return pl.pallas_call(
        _k3_body,
        grid=(N_NODES // COPY_ROWS,),
        in_specs=[pl.BlockSpec((COPY_ROWS, D), lambda i: (i, 0))],
        out_specs=pl.BlockSpec((COPY_ROWS, D), lambda i: (i, 0)),
        out_shape=jax.ShapeDtypeStruct((N_NODES, D), jnp.float32),
    )(nf)


SC_PER_W = B // NW


@functools.partial(
    _sc_mesh,
    out_type=(),
    scratch_types=[
        pltpu.VMEM((SC_PER_W,), jnp.int32),
        pltpu.VMEM((SC_PER_W,), jnp.int32),
        pltpu.VMEM((SC_PER_W, D), jnp.float32),
        pltpu.SemaphoreType.DMA,
    ],
)
def _k4_scatter(y_ref, out_hbm, win_hbm, dest_hbm, win_v, dest_v, rows_v, sem):
    wid = lax.axis_index("s") * NC + lax.axis_index("c")
    base = wid * SC_PER_W
    pltpu.sync_copy(win_hbm.at[pl.ds(base, SC_PER_W)], win_v)
    pltpu.sync_copy(dest_hbm.at[pl.ds(base, SC_PER_W)], dest_v)
    pltpu.async_copy(out_hbm.at[win_v], rows_v, sem).wait()
    pltpu.async_copy(rows_v, y_ref.at[dest_v], sem).wait()


def kernel(node_features, edge_features, selected_node, selected_edge_idxs,
           selected_delta_time, selected_weight, nodes_0,
           time_w, time_b, W1, b1, W2, b2):
    nidx = selected_node.astype(jnp.int32).T.reshape(-1)
    eidx = selected_edge_idxs.astype(jnp.int32).T.reshape(-1)
    n0 = nodes_0.astype(jnp.int32)

    e_rowmajor = _k0_transpose(edge_features.T)
    nb, srcf = _k1n_gather(node_features, nidx, n0)
    efg = _k1e_gather(e_rowmajor, eidx)


    out, win = _k2_compute(
        n0.reshape(1, B), nb.reshape(K, B, D), efg.reshape(K, B, DE),
        selected_delta_time.reshape(B, K), selected_weight.reshape(B, K),
        srcf, time_w.reshape(1, D), time_b.reshape(1, D),
        W1, b1.reshape(1, D), W2, b2.reshape(1, D),
    )

    y = _k3_copy(node_features)
    y_ref = jax.new_ref(y)
    _k4_scatter(y_ref, out, win.reshape(B), n0)
    return out, jax.freeze(y_ref)

# --- scband reference (transcript-rebuilt; emitter-appended) ---
"""Pipeline reference for scband-graph-module-embedding-49667001811674 (READ-ONLY COPY).

The authoritative reference and input builder live on the scoring server;
editing this copy changes nothing except your own understanding.
"""

import jax, jax.numpy as jnp
import numpy as np

N_NODES = 100000
N_EDGES = 1600000
D_FEAT = 128
D_EDGE = 16
D_TIME = 128
B = 4096
K = 32


def setup_inputs(seed: int = 0) -> dict:
    key = jax.random.key(seed)
    ks = jax.random.split(key, 16)
    node_features = jax.random.normal(ks[0], (N_NODES, D_FEAT), dtype=jnp.float32)
    edge_features = jax.random.normal(ks[1], (N_EDGES, D_EDGE), dtype=jnp.float32)
    selected_node = jax.random.randint(ks[2], (B, K), 0, N_NODES, dtype=jnp.int64) if jax.config.read('jax_enable_x64') else jax.random.randint(ks[2], (B, K), 0, N_NODES)
    selected_edge_idxs = jax.random.randint(ks[3], (B, K), 0, N_EDGES)
    selected_delta_time = jax.random.uniform(ks[4], (B, K), dtype=jnp.float32)
    selected_weight = jax.random.uniform(ks[5], (B, K), dtype=jnp.float32)
    nodes_0 = jax.random.randint(ks[6], (B,), 0, N_NODES)
    # learned parameters
    # time encoder (TGAT-style): cos(t * w + b)
    time_w = jnp.asarray(1.0 / (10.0 ** np.linspace(0, 9, D_TIME)), dtype=jnp.float32)
    time_b = jnp.zeros((D_TIME,), dtype=jnp.float32)
    d_in = D_FEAT + D_EDGE + D_TIME
    W1 = jax.random.normal(ks[7], (d_in, D_FEAT), dtype=jnp.float32) * (1.0 / np.sqrt(d_in))
    b1 = jnp.zeros((D_FEAT,), dtype=jnp.float32)
    W2 = jax.random.normal(ks[8], (2 * D_FEAT, D_FEAT), dtype=jnp.float32) * (1.0 / np.sqrt(2 * D_FEAT))
    b2 = jnp.zeros((D_FEAT,), dtype=jnp.float32)
    return {
        'node_features': node_features,
        'edge_features': edge_features,
        'selected_node': selected_node,
        'selected_edge_idxs': selected_edge_idxs,
        'selected_delta_time': selected_delta_time,
        'selected_weight': selected_weight,
        'nodes_0': nodes_0,
        'time_w': time_w,
        'time_b': time_b,
        'W1': W1,
        'b1': b1,
        'W2': W2,
        'b2': b2,
    }


def reference(node_features, edge_features, selected_node, selected_edge_idxs,
              selected_delta_time, selected_weight, nodes_0,
              time_w, time_b, W1, b1, W2, b2):
    # gather neighbor / edge / source features (SparseCore gathers)
    neighbor_feats = jnp.take(node_features, selected_node, axis=0)          # [B, K, D_FEAT]
    edge_f = jnp.take(edge_features, selected_edge_idxs, axis=0)             # [B, K, D_EDGE]
    src = jnp.take(node_features, nodes_0, axis=0)                           # [B, D_FEAT]
    # time encoding
    time_emb = jnp.cos(selected_delta_time[..., None] * time_w + time_b)     # [B, K, D_TIME]
    # normalized weights with zero-sum guard (faithful to torch code)
    mask = selected_weight == 0.0                                            # [B, K]
    wsum = jnp.sum(selected_weight, axis=1)                                  # [B]
    wsum_safe = jnp.where(wsum == 0.0, 1.0, wsum)
    weights = selected_weight / wsum_safe[:, None]
    weights = jnp.where((wsum == 0.0)[:, None], 0.0, weights)
    # aggregation layer (n_layers = 1)
    h_in = jnp.concatenate([neighbor_feats, edge_f, time_emb], axis=-1)      # [B, K, D_FEAT+D_EDGE+D_TIME]
    h = jax.nn.relu(h_in @ W1 + b1)                                          # [B, K, D_FEAT]
    h = jnp.where(mask[..., None], 0.0, h)
    agg = jnp.sum(weights[..., None] * h, axis=1)                            # [B, D_FEAT]
    out = jax.nn.relu(jnp.concatenate([src, agg], axis=-1) @ W2 + b2)        # [B, D_FEAT]
    # scatter-overwrite of node feature memory (detached side effect in torch)
    updated_node_features = node_features.at[nodes_0].set(jax.lax.stop_gradient(out))
    return out, updated_node_features

if __name__ == "__main__":
    import jax
    _d = setup_inputs()
    print(jax.jit(kernel)(*tuple(_d.values())))

</pallas_src>

<mosaic_0001>
#map = affine_map<(d0, d1) -> (0, 0)>
#map1 = affine_map<(d0, d1) -> (0)>
module attributes {stable_mosaic.version = 14 : i64} {
  func.func @new_body(%arg0: i32, %arg1: i32, %arg2: memref<100000x128xf32, #tpu.memory_space<hbm>>, %arg3: memref<4096x128xf32, #tpu.memory_space<hbm>>, %arg4: memref<4096xi32, #tpu.memory_space<hbm>>, %arg5: memref<4096xi32, #tpu.memory_space<hbm>>, %arg6: memref<100000x128xf32, #tpu.memory_space<hbm>>, %arg7: memref<128xi32, #tpu.memory_space<vmem>>, %arg8: memref<128xi32, #tpu.memory_space<vmem>>, %arg9: memref<128x128xf32, #tpu.memory_space<vmem>>, %arg10: memref<!tpu.dma_semaphore, #tpu.memory_space<semaphore_mem>>) attributes {dimension_semantics = [#tpu.dimension_semantics<core_parallel>, #tpu.dimension_semantics<subcore_parallel>], iteration_bounds = array<i64: 2, 16>, scalar_prefetch = 0 : i64, scratch_operands = 4 : i64, tpu.core_type = #tpu.core_type<sc_vector_subcore>, window_params = [{transform_indices = #map}, {transform_indices = #map}, {transform_indices = #map1}, {transform_indices = #map1}, {transform_indices = #map}]} {
    %mul3A = arith.constant 2 : i32
    %mul3A_0 = arith.muli %arg1, %mul3A : i32
    %add3A = arith.addi %mul3A_0, %arg0 : i32
    %mul3A_1 = arith.constant 128 : i32
    %mul3A_2 = arith.muli %add3A, %mul3A_1 : i32
    "tpu.region"() ({
      %run_scoped3A = tpu.sem_alloc : memref<!tpu.dma_semaphore, #tpu.memory_space<semaphore_mem>>
      %dma_start3A_13 = tpu.memref_slice %arg4[%mul3A_2] : memref<4096xi32, #tpu.memory_space<hbm>> -> memref<128xi32, #tpu.memory_space<hbm>>
      %dma_start3A_14 = tpu.memref_slice %arg4[%mul3A_2] : memref<4096xi32, #tpu.memory_space<hbm>> -> memref<128xi32, #tpu.memory_space<hbm>>
      tpu.enqueue_dma source(%dma_start3A_14 : memref<128xi32, #tpu.memory_space<hbm>>) target(%arg7 : memref<128xi32, #tpu.memory_space<vmem>>) target_semaphore(%run_scoped3A : memref<!tpu.dma_semaphore, #tpu.memory_space<semaphore_mem>>)
      %dma_wait3A_15 = tpu.memref_slice %arg4[%mul3A_2] : memref<4096xi32, #tpu.memory_space<hbm>> -> memref<128xi32, #tpu.memory_space<hbm>>
      %dma_wait3A_16 = tpu.memref_slice %arg4[%mul3A_2] : memref<4096xi32, #tpu.memory_space<hbm>> -> memref<128xi32, #tpu.memory_space<hbm>>
      tpu.wait_dma2 semaphore(%run_scoped3A : memref<!tpu.dma_semaphore, #tpu.memory_space<semaphore_mem>>) src(%dma_wait3A_16 : memref<128xi32, #tpu.memory_space<hbm>>) dst(%arg7 : memref<128xi32, #tpu.memory_space<vmem>>)
      tpu.yield
    }) : () -> ()
    "tpu.region"() ({
      %run_scoped3A = tpu.sem_alloc : memref<!tpu.dma_semaphore, #tpu.memory_space<semaphore_mem>>
      %dma_start3A_13 = tpu.memref_slice %arg5[%mul3A_2] : memref<4096xi32, #tpu.memory_space<hbm>> -> memref<128xi32, #tpu.memory_space<hbm>>
      %dma_start3A_14 = tpu.memref_slice %arg5[%mul3A_2] : memref<4096xi32, #tpu.memory_space<hbm>> -> memref<128xi32, #tpu.memory_space<hbm>>
      tpu.enqueue_dma source(%dma_start3A_14 : memref<128xi32, #tpu.memory_space<hbm>>) target(%arg8 : memref<128xi32, #tpu.memory_space<vmem>>) target_semaphore(%run_scoped3A : memref<!tpu.dma_semaphore, #tpu.memory_space<semaphore_mem>>)
      %dma_wait3A_15 = tpu.memref_slice %arg5[%mul3A_2] : memref<4096xi32, #tpu.memory_space<hbm>> -> memref<128xi32, #tpu.memory_space<hbm>>
      %dma_wait3A_16 = tpu.memref_slice %arg5[%mul3A_2] : memref<4096xi32, #tpu.memory_space<hbm>> -> memref<128xi32, #tpu.memory_space<hbm>>
      tpu.wait_dma2 semaphore(%run_scoped3A : memref<!tpu.dma_semaphore, #tpu.memory_space<semaphore_mem>>) src(%dma_wait3A_16 : memref<128xi32, #tpu.memory_space<hbm>>) dst(%arg8 : memref<128xi32, #tpu.memory_space<vmem>>)
      tpu.yield
    }) : () -> ()
    %dma_start3A = arith.constant 0 : i32
    %dma_start3A_3 = arith.constant 0 : i32
    %dma_start3A_4 = tpu.memref_slice %arg3[%dma_start3A, %dma_start3A_3] : memref<4096x128xf32, #tpu.memory_space<hbm>> -> memref<4096x128xf32, #tpu.memory_space<hbm>>
    tpu.enqueue_indirect_dma source(%dma_start3A_4 : memref<4096x128xf32, #tpu.memory_space<hbm>>) target(%arg9 : memref<128x128xf32, #tpu.memory_space<vmem>>) offsets(%arg7 : memref<128xi32, #tpu.memory_space<vmem>>) semaphore(%arg10 : memref<!tpu.dma_semaphore, #tpu.memory_space<semaphore_mem>>)
    %dma_wait3A = arith.constant 0 : i32
    %dma_wait3A_5 = arith.constant 0 : i32
    %dma_wait3A_6 = tpu.memref_slice %arg3[%dma_wait3A, %dma_wait3A_5] : memref<4096x128xf32, #tpu.memory_space<hbm>> -> memref<4096x128xf32, #tpu.memory_space<hbm>>
    tpu.wait_indirect_dma semaphore(%arg10 : memref<!tpu.dma_semaphore, #tpu.memory_space<semaphore_mem>>) src(%dma_wait3A_6 : memref<4096x128xf32, #tpu.memory_space<hbm>>) dst(%arg9 : memref<128x128xf32, #tpu.memory_space<vmem>>)
    %dma_start3A_7 = arith.constant 0 : i32
    %dma_start3A_8 = arith.constant 0 : i32
    %dma_start3A_9 = tpu.memref_slice %arg2[%dma_start3A_7, %dma_start3A_8] : memref<100000x128xf32, #tpu.memory_space<hbm>> -> memref<100000x128xf32, #tpu.memory_space<hbm>>
    tpu.enqueue_indirect_dma source(%arg9 : memref<128x128xf32, #tpu.memory_space<vmem>>) target(%dma_start3A_9 : memref<100000x128xf32, #tpu.memory_space<hbm>>) offsets(%arg8 : memref<128xi32, #tpu.memory_space<vmem>>) semaphore(%arg10 : memref<!tpu.dma_semaphore, #tpu.memory_space<semaphore_mem>>)
    %dma_wait3A_10 = arith.constant 0 : i32
    %dma_wait3A_11 = arith.constant 0 : i32
    %dma_wait3A_12 = tpu.memref_slice %arg2[%dma_wait3A_10, %dma_wait3A_11] : memref<100000x128xf32, #tpu.memory_space<hbm>> -> memref<100000x128xf32, #tpu.memory_space<hbm>>
    tpu.wait_indirect_dma semaphore(%arg10 : memref<!tpu.dma_semaphore, #tpu.memory_space<semaphore_mem>>) src(%arg9 : memref<128x128xf32, #tpu.memory_space<vmem>>) dst(%dma_wait3A_12 : memref<100000x128xf32, #tpu.memory_space<hbm>>)
    return
  }
}

#map = affine_map<(d0, d1) -> (0, 0)>
#map1 = affine_map<(d0, d1) -> (0)>
module attributes {stable_mosaic.version = 14 : i64} {
  func.func @_k1e_gather(%arg0: i32, %arg1: i32, %arg2: memref<1600000x16xf32, #tpu.memory_space<hbm>>, %arg3: memref<131072xi32, #tpu.memory_space<hbm>>, %arg4: memref<131072x16xf32, #tpu.memory_space<hbm>>, %arg5: memref<4096xi32, #tpu.memory_space<vmem>>, %arg6: memref<1024x16xf32, #tpu.memory_space<vmem>>, %arg7: memref<!tpu.dma_semaphore, #tpu.memory_space<semaphore_mem>>) attributes {dimension_semantics = [#tpu.dimension_semantics<core_parallel>, #tpu.dimension_semantics<subcore_parallel>], iteration_bounds = array<i64: 2, 16>, scalar_prefetch = 0 : i64, scratch_operands = 3 : i64, tpu.core_type = #tpu.core_type<sc_vector_subcore>, window_params = [{transform_indices = #map}, {transform_indices = #map1}, {transform_indices = #map}]} {
    %mul3A = arith.constant 2 : i32
    %mul3A_0 = arith.muli %arg1, %mul3A : i32
    %add3A = arith.addi %mul3A_0, %arg0 : i32
    %mul3A_1 = arith.constant 4096 : i32
    %mul3A_2 = arith.muli %add3A, %mul3A_1 : i32
    "tpu.region"() ({
      %run_scoped3A = tpu.sem_alloc : memref<!tpu.dma_semaphore, #tpu.memory_space<semaphore_mem>>
      %dma_start3A = tpu.memref_slice %arg3[%mul3A_2] : memref<131072xi32, #tpu.memory_space<hbm>> -> memref<4096xi32, #tpu.memory_space<hbm>>
      %dma_start3A_8 = tpu.memref_slice %arg3[%mul3A_2] : memref<131072xi32, #tpu.memory_space<hbm>> -> memref<4096xi32, #tpu.memory_space<hbm>>
      tpu.enqueue_dma source(%dma_start3A_8 : memref<4096xi32, #tpu.memory_space<hbm>>) target(%arg5 : memref<4096xi32, #tpu.memory_space<vmem>>) target_semaphore(%run_scoped3A : memref<!tpu.dma_semaphore, #tpu.memory_space<semaphore_mem>>)
      %dma_wait3A = tpu.memref_slice %arg3[%mul3A_2] : memref<131072xi32, #tpu.memory_space<hbm>> -> memref<4096xi32, #tpu.memory_space<hbm>>
      %dma_wait3A_9 = tpu.memref_slice %arg3[%mul3A_2] : memref<131072xi32, #tpu.memory_space<hbm>> -> memref<4096xi32, #tpu.memory_space<hbm>>
      tpu.wait_dma2 semaphore(%run_scoped3A : memref<!tpu.dma_semaphore, #tpu.memory_space<semaphore_mem>>) src(%dma_wait3A_9 : memref<4096xi32, #tpu.memory_space<hbm>>) dst(%arg5 : memref<4096xi32, #tpu.memory_space<vmem>>)
      tpu.yield
    }) : () -> ()
    %scan3A = arith.constant 0 : i32
    %scan3A_3 = arith.constant 0 : i32
    %scan3A_4 = arith.constant 4 : i32
    %scan3A_5 = arith.addi %scan3A_3, %scan3A_4 : i32
    %scan3A_6 = arith.constant 1 : i32
    scf.for %scan3A_8 = %scan3A_3 to %scan3A_5 step %scan3A_6  : i32 {
      %mul3A_9 = arith.constant 1024 : i32
      %mul3A_10 = arith.muli %scan3A_8, %mul3A_9 : i32
      %dma_start3A = tpu.memref_slice %arg5[%mul3A_10] : memref<4096xi32, #tpu.memory_space<vmem>> -> memref<1024xi32, #tpu.memory_space<vmem>>
      %dma_start3A_11 = arith.constant 0 : i32
      %dma_start3A_12 = arith.constant 0 : i32
      %dma_start3A_13 = tpu.memref_slice %arg2[%dma_start3A_11, %dma_start3A_12] : memref<1600000x16xf32, #tpu.memory_space<hbm>> -> memref<1600000x16xf32, #tpu.memory_space<hbm>>
      tpu.enqueue_indirect_dma source(%dma_start3A_13 : memref<1600000x16xf32, #tpu.memory_space<hbm>>) target(%arg6 : memref<1024x16xf32, #tpu.memory_space<vmem>>) offsets(%dma_start3A : memref<1024xi32, #tpu.memory_space<vmem>>) semaphore(%arg7 : memref<!tpu.dma_semaphore, #tpu.memory_space<semaphore_mem>>)
      %dma_wait3A = tpu.memref_slice %arg5[%mul3A_10] : memref<4096xi32, #tpu.memory_space<vmem>> -> memref<1024xi32, #tpu.memory_space<vmem>>
      %dma_wait3A_14 = arith.constant 0 : i32
      %dma_wait3A_15 = arith.constant 0 : i32
      %dma_wait3A_16 = tpu.memref_slice %arg2[%dma_wait3A_14, %dma_wait3A_15] : memref<1600000x16xf32, #tpu.memory_space<hbm>> -> memref<1600000x16xf32, #tpu.memory_space<hbm>>
      tpu.wait_indirect_dma semaphore(%arg7 : memref<!tpu.dma_semaphore, #tpu.memory_space<semaphore_mem>>) src(%dma_wait3A_16 : memref<1600000x16xf32, #tpu.memory_space<hbm>>) dst(%arg6 : memref<1024x16xf32, #tpu.memory_space<vmem>>)
      %add3A_17 = arith.addi %mul3A_2, %mul3A_10 : i32
      "tpu.region"() ({
        %run_scoped3A = tpu.sem_alloc : memref<!tpu.dma_semaphore, #tpu.memory_space<semaphore_mem>>
        %dma_start3A_18 = arith.constant 0 : i32
        %dma_start3A_19 = tpu.memref_slice %arg4[%add3A_17, %dma_start3A_18] : memref<131072x16xf32, #tpu.memory_space<hbm>> -> memref<1024x16xf32, #tpu.memory_space<hbm>>
        %dma_start3A_20 = arith.constant 0 : i32
        %dma_start3A_21 = tpu.memref_slice %arg4[%add3A_17, %dma_start3A_20] : memref<131072x16xf32, #tpu.memory_space<hbm>> -> memref<1024x16xf32, #tpu.memory_space<hbm>>
        tpu.enqueue_dma source(%arg6 : memref<1024x16xf32, #tpu.memory_space<vmem>>) target(%dma_start3A_21 : memref<1024x16xf32, #tpu.memory_space<hbm>>) target_semaphore(%run_scoped3A : memref<!tpu.dma_semaphore, #tpu.memory_space<semaphore_mem>>)
        %dma_wait3A_22 = arith.constant 0 : i32
        %dma_wait3A_23 = tpu.memref_slice %arg4[%add3A_17, %dma_wait3A_22] : memref<131072x16xf32, #tpu.memory_space<hbm>> -> memref<1024x16xf32, #tpu.memory_space<hbm>>
        %dma_wait3A_24 = arith.constant 0 : i32
        %dma_wait3A_25 = tpu.memref_slice %arg4[%add3A_17, %dma_wait3A_24] : memref<131072x16xf32, #tpu.memory_space<hbm>> -> memref<1024x16xf32, #tpu.memory_space<hbm>>
        tpu.wait_dma2 semaphore(%run_scoped3A : memref<!tpu.dma_semaphore, #tpu.memory_space<semaphore_mem>>) src(%arg6 : memref<1024x16xf32, #tpu.memory_space<vmem>>) dst(%dma_wait3A_25 : memref<1024x16xf32, #tpu.memory_space<hbm>>)
        tpu.yield
      }) : () -> ()
    }
    %scan3A_7 = arith.constant 4 : i32
    return
  }
}

#map = affine_map<(d0, d1) -> (0, 0)>
#map1 = affine_map<(d0, d1) -> (0)>
module attributes {stable_mosaic.version = 14 : i64} {
  func.func @_k1n_gather(%arg0: i32, %arg1: i32, %arg2: memref<100000x128xf32, #tpu.memory_space<hbm>>, %arg3: memref<131072xi32, #tpu.memory_space<hbm>>, %arg4: memref<4096xi32, #tpu.memory_space<hbm>>, %arg5: memref<131072x128xf32, #tpu.memory_space<hbm>>, %arg6: memref<4096x128xf32, #tpu.memory_space<hbm>>, %arg7: memref<4096xi32, #tpu.memory_space<vmem>>, %arg8: memref<128xi32, #tpu.memory_space<vmem>>, %arg9: memref<128x128xf32, #tpu.memory_space<vmem>>, %arg10: memref<128x128xf32, #tpu.memory_space<vmem>>, %arg11: memref<!tpu.dma_semaphore, #tpu.memory_space<semaphore_mem>>) attributes {dimension_semantics = [#tpu.dimension_semantics<core_parallel>, #tpu.dimension_semantics<subcore_parallel>], iteration_bounds = array<i64: 2, 16>, scalar_prefetch = 0 : i64, scratch_operands = 5 : i64, tpu.core_type = #tpu.core_type<sc_vector_subcore>, window_params = [{transform_indices = #map}, {transform_indices = #map1}, {transform_indices = #map1}, {transform_indices = #map}, {transform_indices = #map}]} {
    %mul3A = arith.constant 2 : i32
    %mul3A_0 = arith.muli %arg1, %mul3A : i32
    %add3A = arith.addi %mul3A_0, %arg0 : i32
    %mul3A_1 = arith.constant 4096 : i32
    %mul3A_2 = arith.muli %add3A, %mul3A_1 : i32
    "tpu.region"() ({
      %run_scoped3A = tpu.sem_alloc : memref<!tpu.dma_semaphore, #tpu.memory_space<semaphore_mem>>
      %dma_start3A_16 = tpu.memref_slice %arg3[%mul3A_2] : memref<131072xi32, #tpu.memory_space<hbm>> -> memref<4096xi32, #tpu.memory_space<hbm>>
      %dma_start3A_17 = tpu.memref_slice %arg3[%mul3A_2] : memref<131072xi32, #tpu.memory_space<hbm>> -> memref<4096xi32, #tpu.memory_space<hbm>>
      tpu.enqueue_dma source(%dma_start3A_17 : memref<4096xi32, #tpu.memory_space<hbm>>) target(%arg7 : memref<4096xi32, #tpu.memory_space<vmem>>) target_semaphore(%run_scoped3A : memref<!tpu.dma_semaphore, #tpu.memory_space<semaphore_mem>>)
      %dma_wait3A_18 = tpu.memref_slice %arg3[%mul3A_2] : memref<131072xi32, #tpu.memory_space<hbm>> -> memref<4096xi32, #tpu.memory_space<hbm>>
      %dma_wait3A_19 = tpu.memref_slice %arg3[%mul3A_2] : memref<131072xi32, #tpu.memory_space<hbm>> -> memref<4096xi32, #tpu.memory_space<hbm>>
      tpu.wait_dma2 semaphore(%run_scoped3A : memref<!tpu.dma_semaphore, #tpu.memory_space<semaphore_mem>>) src(%dma_wait3A_19 : memref<4096xi32, #tpu.memory_space<hbm>>) dst(%arg7 : memref<4096xi32, #tpu.memory_space<vmem>>)
      tpu.yield
    }) : () -> ()
    %mul3A_3 = arith.constant 128 : i32
    %mul3A_4 = arith.muli %add3A, %mul3A_3 : i32
    "tpu.region"() ({
      %run_scoped3A = tpu.sem_alloc : memref<!tpu.dma_semaphore, #tpu.memory_space<semaphore_mem>>
      %dma_start3A_16 = tpu.memref_slice %arg4[%mul3A_4] : memref<4096xi32, #tpu.memory_space<hbm>> -> memref<128xi32, #tpu.memory_space<hbm>>
      %dma_start3A_17 = tpu.memref_slice %arg4[%mul3A_4] : memref<4096xi32, #tpu.memory_space<hbm>> -> memref<128xi32, #tpu.memory_space<hbm>>
      tpu.enqueue_dma source(%dma_start3A_17 : memref<128xi32, #tpu.memory_space<hbm>>) target(%arg8 : memref<128xi32, #tpu.memory_space<vmem>>) target_semaphore(%run_scoped3A : memref<!tpu.dma_semaphore, #tpu.memory_space<semaphore_mem>>)
      %dma_wait3A_18 = tpu.memref_slice %arg4[%mul3A_4] : memref<4096xi32, #tpu.memory_space<hbm>> -> memref<128xi32, #tpu.memory_space<hbm>>
      %dma_wait3A_19 = tpu.memref_slice %arg4[%mul3A_4] : memref<4096xi32, #tpu.memory_space<hbm>> -> memref<128xi32, #tpu.memory_space<hbm>>
      tpu.wait_dma2 semaphore(%run_scoped3A : memref<!tpu.dma_semaphore, #tpu.memory_space<semaphore_mem>>) src(%dma_wait3A_19 : memref<128xi32, #tpu.memory_space<hbm>>) dst(%arg8 : memref<128xi32, #tpu.memory_space<vmem>>)
      tpu.yield
    }) : () -> ()
    %scan3A = arith.constant 0 : i32
    %scan3A_5 = arith.constant 0 : i32
    %scan3A_6 = arith.constant 32 : i32
    %scan3A_7 = arith.addi %scan3A_5, %scan3A_6 : i32
    %scan3A_8 = arith.constant 1 : i32
    scf.for %scan3A_16 = %scan3A_5 to %scan3A_7 step %scan3A_8  : i32 {
      %mul3A_17 = arith.constant 128 : i32
      %mul3A_18 = arith.muli %scan3A_16, %mul3A_17 : i32
      %dma_start3A_19 = tpu.memref_slice %arg7[%mul3A_18] : memref<4096xi32, #tpu.memory_space<vmem>> -> memref<128xi32, #tpu.memory_space<vmem>>
      %dma_start3A_20 = arith.constant 0 : i32
      %dma_start3A_21 = arith.constant 0 : i32
      %dma_start3A_22 = tpu.memref_slice %arg2[%dma_start3A_20, %dma_start3A_21] : memref<100000x128xf32, #tpu.memory_space<hbm>> -> memref<100000x128xf32, #tpu.memory_space<hbm>>
      tpu.enqueue_indirect_dma source(%dma_start3A_22 : memref<100000x128xf32, #tpu.memory_space<hbm>>) target(%arg9 : memref<128x128xf32, #tpu.memory_space<vmem>>) offsets(%dma_start3A_19 : memref<128xi32, #tpu.memory_space<vmem>>) semaphore(%arg11 : memref<!tpu.dma_semaphore, #tpu.memory_space<semaphore_mem>>)
      %dma_wait3A_23 = tpu.memref_slice %arg7[%mul3A_18] : memref<4096xi32, #tpu.memory_space<vmem>> -> memref<128xi32, #tpu.memory_space<vmem>>
      %dma_wait3A_24 = arith.constant 0 : i32
      %dma_wait3A_25 = arith.constant 0 : i32
      %dma_wait3A_26 = tpu.memref_slice %arg2[%dma_wait3A_24, %dma_wait3A_25] : memref<100000x128xf32, #tpu.memory_space<hbm>> -> memref<100000x128xf32, #tpu.memory_space<hbm>>
      tpu.wait_indirect_dma semaphore(%arg11 : memref<!tpu.dma_semaphore, #tpu.memory_space<semaphore_mem>>) src(%dma_wait3A_26 : memref<100000x128xf32, #tpu.memory_space<hbm>>) dst(%arg9 : memref<128x128xf32, #tpu.memory_space<vmem>>)
      %add3A_27 = arith.addi %mul3A_2, %mul3A_18 : i32
      "tpu.region"() ({
        %run_scoped3A = tpu.sem_alloc : memref<!tpu.dma_semaphore, #tpu.memory_space<semaphore_mem>>
        %dma_start3A_28 = arith.constant 0 : i32
        %dma_start3A_29 = tpu.memref_slice %arg5[%add3A_27, %dma_start3A_28] : memref<131072x128xf32, #tpu.memory_space<hbm>> -> memref<128x128xf32, #tpu.memory_space<hbm>>
        %dma_start3A_30 = arith.constant 0 : i32
        %dma_start3A_31 = tpu.memref_slice %arg5[%add3A_27, %dma_start3A_30] : memref<131072x128xf32, #tpu.memory_space<hbm>> -> memref<128x128xf32, #tpu.memory_space<hbm>>
        tpu.enqueue_dma source(%arg9 : memref<128x128xf32, #tpu.memory_space<vmem>>) target(%dma_start3A_31 : memref<128x128xf32, #tpu.memory_space<hbm>>) target_semaphore(%run_scoped3A : memref<!tpu.dma_semaphore, #tpu.memory_space<semaphore_mem>>)
        %dma_wait3A_32 = arith.constant 0 : i32
        %dma_wait3A_33 = tpu.memref_slice %arg5[%add3A_27, %dma_wait3A_32] : memref<131072x128xf32, #tpu.memory_space<hbm>> -> memref<128x128xf32, #tpu.memory_space<hbm>>
        %dma_wait3A_34 = arith.constant 0 : i32
        %dma_wait3A_35 = tpu.memref_slice %arg5[%add3A_27, %dma_wait3A_34] : memref<131072x128xf32, #tpu.memory_space<hbm>> -> memref<128x128xf32, #tpu.memory_space<hbm>>
        tpu.wait_dma2 semaphore(%run_scoped3A : memref<!tpu.dma_semaphore, #tpu.memory_space<semaphore_mem>>) src(%arg9 : memref<128x128xf32, #tpu.memory_space<vmem>>) dst(%dma_wait3A_35 : memref<128x128xf32, #tpu.memory_space<hbm>>)
        tpu.yield
      }) : () -> ()
    }
    %scan3A_9 = arith.constant 32 : i32
    %dma_start3A = arith.constant 0 : i32
    %dma_start3A_10 = arith.constant 0 : i32
    %dma_start3A_11 = tpu.memref_slice %arg2[%dma_start3A, %dma_start3A_10] : memref<100000x128xf32, #tpu.memory_space<hbm>> -> memref<100000x128xf32, #tpu.memory_space<hbm>>
    tpu.enqueue_indirect_dma source(%dma_start3A_11 : memref<100000x128xf32, #tpu.memory_space<hbm>>) target(%arg10 : memref<128x128xf32, #tpu.memory_space<vmem>>) offsets(%arg8 : memref<128xi32, #tpu.memory_space<vmem>>) semaphore(%arg11 : memref<!tpu.dma_semaphore, #tpu.memory_space<semaphore_mem>>)
    %dma_wait3A = arith.constant 0 : i32
    %dma_wait3A_12 = arith.constant 0 : i32
    %dma_wait3A_13 = tpu.memref_slice %arg2[%dma_wait3A, %dma_wait3A_12] : memref<100000x128xf32, #tpu.memory_space<hbm>> -> memref<100000x128xf32, #tpu.memory_space<hbm>>
    tpu.wait_indirect_dma semaphore(%arg11 : memref<!tpu.dma_semaphore, #tpu.memory_space<semaphore_mem>>) src(%dma_wait3A_13 : memref<100000x128xf32, #tpu.memory_space<hbm>>) dst(%arg10 : memref<128x128xf32, #tpu.memory_space<vmem>>)
    %mul3A_14 = arith.constant 128 : i32
    %mul3A_15 = arith.muli %add3A, %mul3A_14 : i32
    "tpu.region"() ({
      %run_scoped3A = tpu.sem_alloc : memref<!tpu.dma_semaphore, #tpu.memory_space<semaphore_mem>>
      %dma_start3A_16 = arith.constant 0 : i32
      %dma_start3A_17 = tpu.memref_slice %arg6[%mul3A_15, %dma_start3A_16] : memref<4096x128xf32, #tpu.memory_space<hbm>> -> memref<128x128xf32, #tpu.memory_space<hbm>>
      %dma_start3A_18 = arith.constant 0 : i32
      %dma_start3A_19 = tpu.memref_slice %arg6[%mul3A_15, %dma_start3A_18] : memref<4096x128xf32, #tpu.memory_space<hbm>> -> memref<128x128xf32, #tpu.memory_space<hbm>>
      tpu.enqueue_dma source(%arg10 : memref<128x128xf32, #tpu.memory_space<vmem>>) target(%dma_start3A_19 : memref<128x128xf32, #tpu.memory_space<hbm>>) target_semaphore(%run_scoped3A : memref<!tpu.dma_semaphore, #tpu.memory_space<semaphore_mem>>)
      %dma_wait3A_20 = arith.constant 0 : i32
      %dma_wait3A_21 = tpu.memref_slice %arg6[%mul3A_15, %dma_wait3A_20] : memref<4096x128xf32, #tpu.memory_space<hbm>> -> memref<128x128xf32, #tpu.memory_space<hbm>>
      %dma_wait3A_22 = arith.constant 0 : i32
      %dma_wait3A_23 = tpu.memref_slice %arg6[%mul3A_15, %dma_wait3A_22] : memref<4096x128xf32, #tpu.memory_space<hbm>> -> memref<128x128xf32, #tpu.memory_space<hbm>>
      tpu.wait_dma2 semaphore(%run_scoped3A : memref<!tpu.dma_semaphore, #tpu.memory_space<semaphore_mem>>) src(%arg10 : memref<128x128xf32, #tpu.memory_space<vmem>>) dst(%dma_wait3A_23 : memref<128x128xf32, #tpu.memory_space<hbm>>)
      tpu.yield
    }) : () -> ()
    return
  }
}

module attributes {stable_mosaic.version = 14 : i64} {
  func.func @_k3_body(%arg0: i32, %arg1: memref<5000x128xf32, #tpu.memory_space<vmem>>, %arg2: memref<5000x128xf32, #tpu.memory_space<vmem>>) attributes {dimension_semantics = [#tpu.dimension_semantics<arbitrary>], iteration_bounds = array<i64: 20>, scalar_prefetch = 0 : i64, scratch_operands = 0 : i64, tpu.core_type = #tpu.core_type<tc>, window_params = [{transform_indices = @transform_0, window_bounds = array<i64: 5000, 128>}, {transform_indices = @transform_1, window_bounds = array<i64: 5000, 128>}]} {
    %get3A = arith.constant 0 : index
    %get3A_0 = arith.constant 0 : index
    %get3A_1 = vector.load %arg1[%get3A, %get3A_0] : memref<5000x128xf32, #tpu.memory_space<vmem>>, vector<5000x128xf32>
    %swap3A = arith.constant 0 : index
    %swap3A_2 = arith.constant 0 : index
    %swap3A_3 = vector.load %arg2[%swap3A, %swap3A_2] : memref<5000x128xf32, #tpu.memory_space<vmem>>, vector<5000x128xf32>
    tpu.vector_store %arg2[%swap3A, %swap3A_2], %get3A_1 {strides = array<i32>} : memref<5000x128xf32, #tpu.memory_space<vmem>>, vector<5000x128xf32>,
    return
  }
  func.func @transform_0(%arg0: i32) -> (i32, i32) {
    %c0_i32 = arith.constant 0 : i32
    %c0_i32_0 = arith.constant 0 : i32
    return %arg0, %c0_i32 : i32, i32
  }
  func.func @transform_1(%arg0: i32) -> (i32, i32) {
    %c0_i32 = arith.constant 0 : i32
    %c0_i32_0 = arith.constant 0 : i32
    return %arg0, %c0_i32 : i32, i32
  }
}

module attributes {stable_mosaic.version = 14 : i64} {
  func.func @_k0_body(%arg0: i32, %arg1: memref<16x12800xf32, #tpu.memory_space<vmem>>, %arg2: memref<12800x16xf32, #tpu.memory_space<vmem>>) attributes {dimension_semantics = [#tpu.dimension_semantics<arbitrary>], iteration_bounds = array<i64: 125>, scalar_prefetch = 0 : i64, scratch_operands = 0 : i64, tpu.core_type = #tpu.core_type<tc>, window_params = [{transform_indices = @transform_0, window_bounds = array<i64: 16, 12800>}, {transform_indices = @transform_1, window_bounds = array<i64: 12800, 16>}]} {
    %get3A = arith.constant 0 : index
    %get3A_0 = arith.constant 0 : index
    %get3A_1 = vector.load %arg1[%get3A, %get3A_0] : memref<16x12800xf32, #tpu.memory_space<vmem>>, vector<16x12800xf32>
    %transpose3A = tpu.transpose %get3A_1, [1, 0] : vector<16x12800xf32> -> vector<12800x16xf32>
    %swap3A = arith.constant 0 : index
    %swap3A_2 = arith.constant 0 : index
    %swap3A_3 = vector.load %arg2[%swap3A, %swap3A_2] : memref<12800x16xf32, #tpu.memory_space<vmem>>, vector<12800x16xf32>
    tpu.vector_store %arg2[%swap3A, %swap3A_2], %transpose3A {strides = array<i32>} : memref<12800x16xf32, #tpu.memory_space<vmem>>, vector<12800x16xf32>,
    return
  }
  func.func @transform_0(%arg0: i32) -> (i32, i32) {
    %c0_i32 = arith.constant 0 : i32
    %c0_i32_0 = arith.constant 0 : i32
    return %c0_i32, %arg0 : i32, i32
  }
  func.func @transform_1(%arg0: i32) -> (i32, i32) {
    %c0_i32 = arith.constant 0 : i32
    %c0_i32_0 = arith.constant 0 : i32
    return %arg0, %c0_i32 : i32, i32
  }
}

module attributes {stable_mosaic.version = 14 : i64} {
  func.func @_k2_body(%arg0: i32, %arg1: memref<1x4096xi32, #tpu.memory_space<vmem>>, %arg2: memref<32x256x128xf32, #tpu.memory_space<vmem>>, %arg3: memref<32x256x16xf32, #tpu.memory_space<vmem>>, %arg4: memref<256x32xf32, #tpu.memory_space<vmem>>, %arg5: memref<256x32xf32, #tpu.memory_space<vmem>>, %arg6: memref<256x128xf32, #tpu.memory_space<vmem>>, %arg7: memref<1x256xi32, #tpu.memory_space<vmem>>, %arg8: memref<1x128xf32, #tpu.memory_space<vmem>>, %arg9: memref<1x128xf32, #tpu.memory_space<vmem>>, %arg10: memref<272x128xf32, #tpu.memory_space<vmem>>, %arg11: memref<1x128xf32, #tpu.memory_space<vmem>>, %arg12: memref<256x128xf32, #tpu.memory_space<vmem>>, %arg13: memref<1x128xf32, #tpu.memory_space<vmem>>, %arg14: memref<256x128xf32, #tpu.memory_space<vmem>>, %arg15: memref<1x256xi32, #tpu.memory_space<vmem>>) attributes {dimension_semantics = [#tpu.dimension_semantics<arbitrary>], iteration_bounds = array<i64: 16>, scalar_prefetch = 0 : i64, scratch_operands = 0 : i64, tpu.core_type = #tpu.core_type<tc>, window_params = [{pipeline_mode = #tpu.pipeline_mode<synchronous>, transform_indices = @transform_0, window_bounds = array<i64: 1, 4096>}, {transform_indices = @transform_1, window_bounds = array<i64: 32, 256, 128>}, {transform_indices = @transform_2, window_bounds = array<i64: 32, 256, 16>}, {transform_indices = @transform_3, window_bounds = array<i64: 256, 32>}, {transform_indices = @transform_4, window_bounds = array<i64: 256, 32>}, {transform_indices = @transform_5, window_bounds = array<i64: 256, 128>}, {transform_indices = @transform_6, window_bounds = array<i64: 1, 256>}, {pipeline_mode = #tpu.pipeline_mode<synchronous>, transform_indices = @transform_7, window_bounds = array<i64: 1, 128>}, {pipeline_mode = #tpu.pipeline_mode<synchronous>, transform_indices = @transform_8, window_bounds = array<i64: 1, 128>}, {pipeline_mode = #tpu.pipeline_mode<synchronous>, transform_indices = @transform_9, window_bounds = array<i64: 272, 128>}, {pipeline_mode = #tpu.pipeline_mode<synchronous>, transform_indices = @transform_10, window_bounds = array<i64: 1, 128>}, {pipeline_mode = #tpu.pipeline_mode<synchronous>, transform_indices = @transform_11, window_bounds = array<i64: 256, 128>}, {pipeline_mode = #tpu.pipeline_mode<synchronous>, transform_indices = @transform_12, window_bounds = array<i64: 1, 128>}, {transform_indices = @transform_13, window_bounds = array<i64: 256, 128>}, {transform_indices = @transform_14, window_bounds = array<i64: 1, 256>}]} {
    %get3A = arith.constant 0 : index
    %get3A_0 = arith.constant 0 : index
    %get3A_1 = arith.constant 0 : index
    %get3A_2 = vector.load %arg2[%get3A, %get3A_0, %get3A_1] : memref<32x256x128xf32, #tpu.memory_space<vmem>>, vector<32x256x128xf32>
    %reshape3A = vector.shape_cast %get3A_2 : vector<32x256x128xf32> to vector<8192x128xf32>
    %get3A_3 = arith.constant 0 : index
    %get3A_4 = arith.constant 0 : index
    %get3A_5 = arith.constant 0 : index
    %get3A_6 = vector.load %arg3[%get3A_3, %get3A_4, %get3A_5] : memref<32x256x16xf32, #tpu.memory_space<vmem>>, vector<32x256x16xf32>
    %reshape3A_7 = vector.shape_cast %get3A_6 : vector<32x256x16xf32> to vector<8192x16xf32>
    %get3A_8 = arith.constant 0 : index
    %get3A_9 = arith.constant 0 : index
    %get3A_10 = vector.load %arg10[%get3A_8, %get3A_9] : memref<272x128xf32, #tpu.memory_space<vmem>>, vector<272x128xf32>
    %slice3A = vector.extract_strided_slice %get3A_10 {offsets = [0, 0], sizes = [128, 128], strides = [1, 1]} : vector<272x128xf32> to vector<128x128xf32>
    %dot_general3A = arith.constant dense<0.000000e+00> : vector<8192x128xf32>
    %dot_general3A_11 = tpu.matmul %reshape3A, %slice3A, %dot_general3A {dimension_numbers = #tpu.dot_dimension_numbers<[1], [0], [0], [1], [0, 0, 1, 1], [], []>, transpose_lhs_hint = false} : vector<8192x128xf32>, vector<128x128xf32>, vector<8192x128xf32> -> vector<8192x128xf32>
    %slice3A_12 = vector.extract_strided_slice %get3A_10 {offsets = [128, 0], sizes = [16, 128], strides = [1, 1]} : vector<272x128xf32> to vector<16x128xf32>
    %dot_general3A_13 = arith.constant dense<0.000000e+00> : vector<8192x128xf32>
    %dot_general3A_14 = tpu.matmul %reshape3A_7, %slice3A_12, %dot_general3A_13 {dimension_numbers = #tpu.dot_dimension_numbers<[1], [0], [0], [1], [0, 0, 1, 1], [], []>, transpose_lhs_hint = false} : vector<8192x16xf32>, vector<16x128xf32>, vector<8192x128xf32> -> vector<8192x128xf32>
    %add3A = arith.addf %dot_general3A_11, %dot_general3A_14 : vector<8192x128xf32>
    %get3A_15 = arith.constant 0 : index
    %get3A_16 = arith.constant 0 : index
    %get3A_17 = vector.load %arg11[%get3A_15, %get3A_16] : memref<1x128xf32, #tpu.memory_space<vmem>>, vector<1x128xf32>
    %add3A_18 = vector.broadcast %get3A_17 : vector<1x128xf32> to vector<8192x128xf32>
    %add3A_19 = arith.addf %add3A, %add3A_18 : vector<8192x128xf32>
    %reshape3A_20 = vector.shape_cast %add3A_19 : vector<8192x128xf32> to vector<32x256x128xf32>
    %slice3A_21 = vector.extract_strided_slice %get3A_10 {offsets = [144, 0], sizes = [128, 128], strides = [1, 1]} : vector<272x128xf32> to vector<128x128xf32>
    %get3A_22 = arith.constant 0 : index
    %get3A_23 = arith.constant 0 : index
    %get3A_24 = vector.load %arg8[%get3A_22, %get3A_23] : memref<1x128xf32, #tpu.memory_space<vmem>>, vector<1x128xf32>
    %get3A_25 = arith.constant 0 : index
    %get3A_26 = arith.constant 0 : index
    %get3A_27 = vector.load %arg9[%get3A_25, %get3A_26] : memref<1x128xf32, #tpu.memory_space<vmem>>, vector<1x128xf32>
    %get3A_28 = arith.constant 0 : index
    %get3A_29 = arith.constant 0 : index
    %get3A_30 = vector.load %arg4[%get3A_28, %get3A_29] : memref<256x32xf32, #tpu.memory_space<vmem>>, vector<256x32xf32>
    %get3A_31 = arith.constant 0 : index
    %get3A_32 = arith.constant 0 : index
    %get3A_33 = vector.load %arg5[%get3A_31, %get3A_32] : memref<256x32xf32, #tpu.memory_space<vmem>>, vector<256x32xf32>
    %reduce_sum3A = arith.constant dense<0.000000e+00> : vector<256xf32>
    %reduce_sum3A_34 = vector.multi_reduction <add>, %get3A_33, %reduce_sum3A [1] : vector<256x32xf32> to vector<256xf32>
    %broadcast_in_dim3A = vector.shape_cast %reduce_sum3A_34 : vector<256xf32> to vector<256x1xf32>
    %eq3A = arith.constant 0.000000e+00 : f32
    %eq3A_35 = vector.broadcast %eq3A : f32 to vector<256x1xf32>
    %eq3A_36 = arith.cmpf oeq, %broadcast_in_dim3A, %eq3A_35 : vector<256x1xf32>
    %eq3A_37 = arith.constant 0.000000e+00 : f32
    %eq3A_38 = vector.broadcast %eq3A_37 : f32 to vector<256x1xf32>
    %eq3A_39 = arith.cmpf oeq, %broadcast_in_dim3A, %eq3A_38 : vector<256x1xf32>
    %jit3A = arith.constant 1.000000e+00 : f32
    %broadcast_in_dim3A_40 = vector.broadcast %jit3A : f32 to vector<256x1xf32>
    %select_n3A = arith.select %eq3A_39, %broadcast_in_dim3A_40, %broadcast_in_dim3A : vector<256x1xi1>, vector<256x1xf32>
    %div3A = arith.constant 1.000000e+00 : f32
    %div3A_41 = vector.broadcast %div3A : f32 to vector<256x1xf32>
    %div3A_42 = arith.divf %div3A_41, %select_n3A : vector<256x1xf32>
    %jit3A_43 = arith.constant 0.000000e+00 : f32
    %broadcast_in_dim3A_44 = vector.broadcast %jit3A_43 : f32 to vector<256x1xf32>
    %select_n3A_45 = arith.select %eq3A_36, %broadcast_in_dim3A_44, %div3A_42 : vector<256x1xi1>, vector<256x1xf32>
    %broadcast_in_dim3A_46 = arith.constant 0.000000e+00 : f32
    %broadcast_in_dim3A_47 = vector.broadcast %broadcast_in_dim3A_46 : f32 to vector<256x128xf32>
    %slice3A_48 = vector.extract_strided_slice %get3A_30 {offsets = [0, 0], sizes = [256, 1], strides = [1, 1]} : vector<256x32xf32> to vector<256x1xf32>
    %mul3A = vector.broadcast %slice3A_48 : vector<256x1xf32> to vector<256x128xf32>
    %mul3A_49 = vector.broadcast %get3A_24 : vector<1x128xf32> to vector<256x128xf32>
    %mul3A_50 = arith.mulf %mul3A, %mul3A_49 : vector<256x128xf32>
    %add3A_51 = vector.broadcast %get3A_27 : vector<1x128xf32> to vector<256x128xf32>
    %add3A_52 = arith.addf %mul3A_50, %add3A_51 : vector<256x128xf32>
    %cos3A = math.cos %add3A_52 : vector<256x128xf32>
    %slice3A_53 = vector.extract_strided_slice %reshape3A_20 {offsets = [0, 0, 0], sizes = [1, 256, 128], strides = [1, 1, 1]} : vector<32x256x128xf32> to vector<1x256x128xf32>
    %squeeze3A = vector.shape_cast %slice3A_53 : vector<1x256x128xf32> to vector<256x128xf32>
    %dot_general3A_54 = arith.constant dense<0.000000e+00> : vector<256x128xf32>
    %dot_general3A_55 = tpu.matmul %cos3A, %slice3A_21, %dot_general3A_54 {dimension_numbers = #tpu.dot_dimension_numbers<[1], [0], [0], [1], [0, 0, 1, 1], [], []>, transpose_lhs_hint = false} : vector<256x128xf32>, vector<128x128xf32>, vector<256x128xf32> -> vector<256x128xf32>
    %add3A_56 = arith.addf %squeeze3A, %dot_general3A_55 : vector<256x128xf32>
    %max3A = arith.constant 0.000000e+00 : f32
    %max3A_57 = vector.broadcast %max3A : f32 to vector<256x128xf32>
    %max3A_58 = arith.maximumf %add3A_56, %max3A_57 : vector<256x128xf32>
    %slice3A_59 = vector.extract_strided_slice %get3A_33 {offsets = [0, 0], sizes = [256, 1], strides = [1, 1]} : vector<256x32xf32> to vector<256x1xf32>
    %mul3A_60 = arith.mulf %slice3A_59, %select_n3A_45 : vector<256x1xf32>
    %mul3A_61 = vector.broadcast %mul3A_60 : vector<256x1xf32> to vector<256x128xf32>
    %mul3A_62 = arith.mulf %max3A_58, %mul3A_61 : vector<256x128xf32>
    %add3A_63 = arith.addf %broadcast_in_dim3A_47, %mul3A_62 : vector<256x128xf32>
    %slice3A_64 = vector.extract_strided_slice %get3A_30 {offsets = [0, 1], sizes = [256, 1], strides = [1, 1]} : vector<256x32xf32> to vector<256x1xf32>
    %mul3A_65 = vector.broadcast %slice3A_64 : vector<256x1xf32> to vector<256x128xf32>
    %mul3A_66 = vector.broadcast %get3A_24 : vector<1x128xf32> to vector<256x128xf32>
    %mul3A_67 = arith.mulf %mul3A_65, %mul3A_66 : vector<256x128xf32>
    %add3A_68 = vector.broadcast %get3A_27 : vector<1x128xf32> to vector<256x128xf32>
    %add3A_69 = arith.addf %mul3A_67, %add3A_68 : vector<256x128xf32>
    %cos3A_70 = math.cos %add3A_69 : vector<256x128xf32>
    %slice3A_71 = vector.extract_strided_slice %reshape3A_20 {offsets = [1, 0, 0], sizes = [1, 256, 128], strides = [1, 1, 1]} : vector<32x256x128xf32> to vector<1x256x128xf32>
    %squeeze3A_72 = vector.shape_cast %slice3A_71 : vector<1x256x128xf32> to vector<256x128xf32>
    %dot_general3A_73 = arith.constant dense<0.000000e+00> : vector<256x128xf32>
    %dot_general3A_74 = tpu.matmul %cos3A_70, %slice3A_21, %dot_general3A_73 {dimension_numbers = #tpu.dot_dimension_numbers<[1], [0], [0], [1], [0, 0, 1, 1], [], []>, transpose_lhs_hint = false} : vector<256x128xf32>, vector<128x128xf32>, vector<256x128xf32> -> vector<256x128xf32>
    %add3A_75 = arith.addf %squeeze3A_72, %dot_general3A_74 : vector<256x128xf32>
    %max3A_76 = arith.constant 0.000000e+00 : f32
    %max3A_77 = vector.broadcast %max3A_76 : f32 to vector<256x128xf32>
    %max3A_78 = arith.maximumf %add3A_75, %max3A_77 : vector<256x128xf32>
    %slice3A_79 = vector.extract_strided_slice %get3A_33 {offsets = [0, 1], sizes = [256, 1], strides = [1, 1]} : vector<256x32xf32> to vector<256x1xf32>
    %mul3A_80 = arith.mulf %slice3A_79, %select_n3A_45 : vector<256x1xf32>
    %mul3A_81 = vector.broadcast %mul3A_80 : vector<256x1xf32> to vector<256x128xf32>
    %mul3A_82 = arith.mulf %max3A_78, %mul3A_81 : vector<256x128xf32>
    %add3A_83 = arith.addf %add3A_63, %mul3A_82 : vector<256x128xf32>
    %slice3A_84 = vector.extract_strided_slice %get3A_30 {offsets = [0, 2], sizes = [256, 1], strides = [1, 1]} : vector<256x32xf32> to vector<256x1xf32>
    %mul3A_85 = vector.broadcast %slice3A_84 : vector<256x1xf32> to vector<256x128xf32>
    %mul3A_86 = vector.broadcast %get3A_24 : vector<1x128xf32> to vector<256x128xf32>
    %mul3A_87 = arith.mulf %mul3A_85, %mul3A_86 : vector<256x128xf32>
    %add3A_88 = vector.broadcast %get3A_27 : vector<1x128xf32> to vector<256x128xf32>
    %add3A_89 = arith.addf %mul3A_87, %add3A_88 : vector<256x128xf32>
    %cos3A_90 = math.cos %add3A_89 : vector<256x128xf32>
    %slice3A_91 = vector.extract_strided_slice %reshape3A_20 {offsets = [2, 0, 0], sizes = [1, 256, 128], strides = [1, 1, 1]} : vector<32x256x128xf32> to vector<1x256x128xf32>
    %squeeze3A_92 = vector.shape_cast %slice3A_91 : vector<1x256x128xf32> to vector<256x128xf32>
    %dot_general3A_93 = arith.constant dense<0.000000e+00> : vector<256x128xf32>
    %dot_general3A_94 = tpu.matmul %cos3A_90, %slice3A_21, %dot_general3A_93 {dimension_numbers = #tpu.dot_dimension_numbers<[1], [0], [0], [1], [0, 0, 1, 1], [], []>, transpose_lhs_hint = false} : vector<256x128xf32>, vector<128x128xf32>, vector<256x128xf32> -> vector<256x128xf32>
    %add3A_95 = arith.addf %squeeze3A_92, %dot_general3A_94 : vector<256x128xf32>
    %max3A_96 = arith.constant 0.000000e+00 : f32
    %max3A_97 = vector.broadcast %max3A_96 : f32 to vector<256x128xf32>
    %max3A_98 = arith.maximumf %add3A_95, %max3A_97 : vector<256x128xf32>
    %slice3A_99 = vector.extract_strided_slice %get3A_33 {offsets = [0, 2], sizes = [256, 1], strides = [1, 1]} : vector<256x32xf32> to vector<256x1xf32>
    %mul3A_100 = arith.mulf %slice3A_99, %select_n3A_45 : vector<256x1xf32>
    %mul3A_101 = vector.broadcast %mul3A_100 : vector<256x1xf32> to vector<256x128xf32>
    %mul3A_102 = arith.mulf %max3A_98, %mul3A_101 : vector<256x128xf32>
    %add3A_103 = arith.addf %add3A_83, %mul3A_102 : vector<256x128xf32>
    %slice3A_104 = vector.extract_strided_slice %get3A_30 {offsets = [0, 3], sizes = [256, 1], strides = [1, 1]} : vector<256x32xf32> to vector<256x1xf32>
    %mul3A_105 = vector.broadcast %slice3A_104 : vector<256x1xf32> to vector<256x128xf32>
    %mul3A_106 = vector.broadcast %get3A_24 : vector<1x128xf32> to vector<256x128xf32>
    %mul3A_107 = arith.mulf %mul3A_105, %mul3A_106 : vector<256x128xf32>
    %add3A_108 = vector.broadcast %get3A_27 : vector<1x128xf32> to vector<256x128xf32>
    %add3A_109 = arith.addf %mul3A_107, %add3A_108 : vector<256x128xf32>
    %cos3A_110 = math.cos %add3A_109 : vector<256x128xf32>
    %slice3A_111 = vector.extract_strided_slice %reshape3A_20 {offsets = [3, 0, 0], sizes = [1, 256, 128], strides = [1, 1, 1]} : vector<32x256x128xf32> to vector<1x256x128xf32>
    %squeeze3A_112 = vector.shape_cast %slice3A_111 : vector<1x256x128xf32> to vector<256x128xf32>
    %dot_general3A_113 = arith.constant dense<0.000000e+00> : vector<256x128xf32>
    %dot_general3A_114 = tpu.matmul %cos3A_110, %slice3A_21, %dot_general3A_113 {dimension_numbers = #tpu.dot_dimension_numbers<[1], [0], [0], [1], [0, 0, 1, 1], [], []>, transpose_lhs_hint = false} : vector<256x128xf32>, vector<128x128xf32>, vector<256x128xf32> -> vector<256x128xf32>
    %add3A_115 = arith.addf %squeeze3A_112, %dot_general3A_114 : vector<256x128xf32>
    %max3A_116 = arith.constant 0.000000e+00 : f32
    %max3A_117 = vector.broadcast %max3A_116 : f32 to vector<256x128xf32>
    %max3A_118 = arith.maximumf %add3A_115, %max3A_117 : vector<256x128xf32>
    %slice3A_119 = vector.extract_strided_slice %get3A_33 {offsets = [0, 3], sizes = [256, 1], strides = [1, 1]} : vector<256x32xf32> to vector<256x1xf32>
    %mul3A_120 = arith.mulf %slice3A_119, %select_n3A_45 : vector<256x1xf32>
    %mul3A_121 = vector.broadcast %mul3A_120 : vector<256x1xf32> to vector<256x128xf32>
    %mul3A_122 = arith.mulf %max3A_118, %mul3A_121 : vector<256x128xf32>
    %add3A_123 = arith.addf %add3A_103, %mul3A_122 : vector<256x128xf32>
    %slice3A_124 = vector.extract_strided_slice %get3A_30 {offsets = [0, 4], sizes = [256, 1], strides = [1, 1]} : vector<256x32xf32> to vector<256x1xf32>
    %mul3A_125 = vector.broadcast %slice3A_124 : vector<256x1xf32> to vector<256x128xf32>
    %mul3A_126 = vector.broadcast %get3A_24 : vector<1x128xf32> to vector<256x128xf32>
    %mul3A_127 = arith.mulf %mul3A_125, %mul3A_126 : vector<256x128xf32>
    %add3A_128 = vector.broadcast %get3A_27 : vector<1x128xf32> to vector<256x128xf32>
    %add3A_129 = arith.addf %mul3A_127, %add3A_128 : vector<256x128xf32>
    %cos3A_130 = math.cos %add3A_129 : vector<256x128xf32>
    %slice3A_131 = vector.extract_strided_slice %reshape3A_20 {offsets = [4, 0, 0], sizes = [1, 256, 128], strides = [1, 1, 1]} : vector<32x256x128xf32> to vector<1x256x128xf32>
    %squeeze3A_132 = vector.shape_cast %slice3A_131 : vector<1x256x128xf32> to vector<256x128xf32>
    %dot_general3A_133 = arith.constant dense<0.000000e+00> : vector<256x128xf32>
    %dot_general3A_134 = tpu.matmul %cos3A_130, %slice3A_21, %dot_general3A_133 {dimension_numbers = #tpu.dot_dimension_numbers<[1], [0], [0], [1], [0, 0, 1, 1], [], []>, transpose_lhs_hint = false} : vector<256x128xf32>, vector<128x128xf32>, vector<256x128xf32> -> vector<256x128xf32>
    %add3A_135 = arith.addf %squeeze3A_132, %dot_general3A_134 : vector<256x128xf32>
    %max3A_136 = arith.constant 0.000000e+00 : f32
    %max3A_137 = vector.broadcast %max3A_136 : f32 to vector<256x128xf32>
    %max3A_138 = arith.maximumf %add3A_135, %max3A_137 : vector<256x128xf32>
    %slice3A_139 = vector.extract_strided_slice %get3A_33 {offsets = [0, 4], sizes = [256, 1], strides = [1, 1]} : vector<256x32xf32> to vector<256x1xf32>
    %mul3A_140 = arith.mulf %slice3A_139, %select_n3A_45 : vector<256x1xf32>
    %mul3A_141 = vector.broadcast %mul3A_140 : vector<256x1xf32> to vector<256x128xf32>
    %mul3A_142 = arith.mulf %max3A_138, %mul3A_141 : vector<256x128xf32>
    %add3A_143 = arith.addf %add3A_123, %mul3A_142 : vector<256x128xf32>
    %slice3A_144 = vector.extract_strided_slice %get3A_30 {offsets = [0, 5], sizes = [256, 1], strides = [1, 1]} : vector<256x32xf32> to vector<256x1xf32>
    %mul3A_145 = vector.broadcast %slice3A_144 : vector<256x1xf32> to vector<256x128xf32>
    %mul3A_146 = vector.broadcast %get3A_24 : vector<1x128xf32> to vector<256x128xf32>
    %mul3A_147 = arith.mulf %mul3A_145, %mul3A_146 : vector<256x128xf32>
    %add3A_148 = vector.broadcast %get3A_27 : vector<1x128xf32> to vector<256x128xf32>
    %add3A_149 = arith.addf %mul3A_147, %add3A_148 : vector<256x128xf32>
    %cos3A_150 = math.cos %add3A_149 : vector<256x128xf32>
    %slice3A_151 = vector.extract_strided_slice %reshape3A_20 {offsets = [5, 0, 0], sizes = [1, 256, 128], strides = [1, 1, 1]} : vector<32x256x128xf32> to vector<1x256x128xf32>
    %squeeze3A_152 = vector.shape_cast %slice3A_151 : vector<1x256x128xf32> to vector<256x128xf32>
    %dot_general3A_153 = arith.constant dense<0.000000e+00> : vector<256x128xf32>
    %dot_general3A_154 = tpu.matmul %cos3A_150, %slice3A_21, %dot_general3A_153 {dimension_numbers = #tpu.dot_dimension_numbers<[1], [0], [0], [1], [0, 0, 1, 1], [], []>, transpose_lhs_hint = false} : vector<256x128xf32>, vector<128x128xf32>, vector<256x128xf32> -> vector<256x128xf32>
    %add3A_155 = arith.addf %squeeze3A_152, %dot_general3A_154 : vector<256x128xf32>
    %max3A_156 = arith.constant 0.000000e+00 : f32
    %max3A_157 = vector.broadcast %max3A_156 : f32 to vector<256x128xf32>
    %max3A_158 = arith.maximumf %add3A_155, %max3A_157 : vector<256x128xf32>
    %slice3A_159 = vector.extract_strided_slice %get3A_33 {offsets = [0, 5], sizes = [256, 1], strides = [1, 1]} : vector<256x32xf32> to vector<256x1xf32>
    %mul3A_160 = arith.mulf %slice3A_159, %select_n3A_45 : vector<256x1xf32>
    %mul3A_161 = vector.broadcast %mul3A_160 : vector<256x1xf32> to vector<256x128xf32>
    %mul3A_162 = arith.mulf %max3A_158, %mul3A_161 : vector<256x128xf32>
    %add3A_163 = arith.addf %add3A_143, %mul3A_162 : vector<256x128xf32>
    %slice3A_164 = vector.extract_strided_slice %get3A_30 {offsets = [0, 6], sizes = [256, 1], strides = [1, 1]} : vector<256x32xf32> to vector<256x1xf32>
    %mul3A_165 = vector.broadcast %slice3A_164 : vector<256x1xf32> to vector<256x128xf32>
    %mul3A_166 = vector.broadcast %get3A_24 : vector<1x128xf32> to vector<256x128xf32>
    %mul3A_167 = arith.mulf %mul3A_165, %mul3A_166 : vector<256x128xf32>
    %add3A_168 = vector.broadcast %get3A_27 : vector<1x128xf32> to vector<256x128xf32>
    %add3A_169 = arith.addf %mul3A_167, %add3A_168 : vector<256x128xf32>
    %cos3A_170 = math.cos %add3A_169 : vector<256x128xf32>
    %slice3A_171 = vector.extract_strided_slice %reshape3A_20 {offsets = [6, 0, 0], sizes = [1, 256, 128], strides = [1, 1, 1]} : vector<32x256x128xf32> to vector<1x256x128xf32>
    %squeeze3A_172 = vector.shape_cast %slice3A_171 : vector<1x256x128xf32> to vector<256x128xf32>
    %dot_general3A_173 = arith.constant dense<0.000000e+00> : vector<256x128xf32>
    %dot_general3A_174 = tpu.matmul %cos3A_170, %slice3A_21, %dot_general3A_173 {dimension_numbers = #tpu.dot_dimension_numbers<[1], [0], [0], [1], [0, 0, 1, 1], [], []>, transpose_lhs_hint = false} : vector<256x128xf32>, vector<128x128xf32>, vector<256x128xf32> -> vector<256x128xf32>
    %add3A_175 = arith.addf %squeeze3A_172, %dot_general3A_174 : vector<256x128xf32>
    %max3A_176 = arith.constant 0.000000e+00 : f32
    %max3A_177 = vector.broadcast %max3A_176 : f32 to vector<256x128xf32>
    %max3A_178 = arith.maximumf %add3A_175, %max3A_177 : vector<256x128xf32>
    %slice3A_179 = vector.extract_strided_slice %get3A_33 {offsets = [0, 6], sizes = [256, 1], strides = [1, 1]} : vector<256x32xf32> to vector<256x1xf32>
    %mul3A_180 = arith.mulf %slice3A_179, %select_n3A_45 : vector<256x1xf32>
    %mul3A_181 = vector.broadcast %mul3A_180 : vector<256x1xf32> to vector<256x128xf32>
    %mul3A_182 = arith.mulf %max3A_178, %mul3A_181 : vector<256x128xf32>
    %add3A_183 = arith.addf %add3A_163, %mul3A_182 : vector<256x128xf32>
    %slice3A_184 = vector.extract_strided_slice %get3A_30 {offsets = [0, 7], sizes = [256, 1], strides = [1, 1]} : vector<256x32xf32> to vector<256x1xf32>
    %mul3A_185 = vector.broadcast %slice3A_184 : vector<256x1xf32> to vector<256x128xf32>
    %mul3A_186 = vector.broadcast %get3A_24 : vector<1x128xf32> to vector<256x128xf32>
    %mul3A_187 = arith.mulf %mul3A_185, %mul3A_186 : vector<256x128xf32>
    %add3A_188 = vector.broadcast %get3A_27 : vector<1x128xf32> to vector<256x128xf32>
    %add3A_189 = arith.addf %mul3A_187, %add3A_188 : vector<256x128xf32>
    %cos3A_190 = math.cos %add3A_189 : vector<256x128xf32>
    %slice3A_191 = vector.extract_strided_slice %reshape3A_20 {offsets = [7, 0, 0], sizes = [1, 256, 128], strides = [1, 1, 1]} : vector<32x256x128xf32> to vector<1x256x128xf32>
    %squeeze3A_192 = vector.shape_cast %slice3A_191 : vector<1x256x128xf32> to vector<256x128xf32>
    %dot_general3A_193 = arith.constant dense<0.000000e+00> : vector<256x128xf32>
    %dot_general3A_194 = tpu.matmul %cos3A_190, %slice3A_21, %dot_general3A_193 {dimension_numbers = #tpu.dot_dimension_numbers<[1], [0], [0], [1], [0, 0, 1, 1], [], []>, transpose_lhs_hint = false} : vector<256x128xf32>, vector<128x128xf32>, vector<256x128xf32> -> vector<256x128xf32>
    %add3A_195 = arith.addf %squeeze3A_192, %dot_general3A_194 : vector<256x128xf32>
    %max3A_196 = arith.constant 0.000000e+00 : f32
    %max3A_197 = vector.broadcast %max3A_196 : f32 to vector<256x128xf32>
    %max3A_198 = arith.maximumf %add3A_195, %max3A_197 : vector<256x128xf32>
    %slice3A_199 = vector.extract_strided_slice %get3A_33 {offsets = [0, 7], sizes = [256, 1], strides = [1, 1]} : vector<256x32xf32> to vector<256x1xf32>
    %mul3A_200 = arith.mulf %slice3A_199, %select_n3A_45 : vector<256x1xf32>
    %mul3A_201 = vector.broadcast %mul3A_200 : vector<256x1xf32> to vector<256x128xf32>
    %mul3A_202 = arith.mulf %max3A_198, %mul3A_201 : vector<256x128xf32>
    %add3A_203 = arith.addf %add3A_183, %mul3A_202 : vector<256x128xf32>
    %slice3A_204 = vector.extract_strided_slice %get3A_30 {offsets = [0, 8], sizes = [256, 1], strides = [1, 1]} : vector<256x32xf32> to vector<256x1xf32>
    %mul3A_205 = vector.broadcast %slice3A_204 : vector<256x1xf32> to vector<256x128xf32>
    %mul3A_206 = vector.broadcast %get3A_24 : vector<1x128xf32> to vector<256x128xf32>
    %mul3A_207 = arith.mulf %mul3A_205, %mul3A_206 : vector<256x128xf32>
    %add3A_208 = vector.broadcast %get3A_27 : vector<1x128xf32> to vector<256x128xf32>
    %add3A_209 = arith.addf %mul3A_207, %add3A_208 : vector<256x128xf32>
    %cos3A_210 = math.cos %add3A_209 : vector<256x128xf32>
    %slice3A_211 = vector.extract_strided_slice %reshape3A_20 {offsets = [8, 0, 0], sizes = [1, 256, 128], strides = [1, 1, 1]} : vector<32x256x128xf32> to vector<1x256x128xf32>
    %squeeze3A_212 = vector.shape_cast %slice3A_211 : vector<1x256x128xf32> to vector<256x128xf32>
    %dot_general3A_213 = arith.constant dense<0.000000e+00> : vector<256x128xf32>
    %dot_general3A_214 = tpu.matmul %cos3A_210, %slice3A_21, %dot_general3A_213 {dimension_numbers = #tpu.dot_dimension_numbers<[1], [0], [0], [1], [0, 0, 1, 1], [], []>, transpose_lhs_hint = false} : vector<256x128xf32>, vector<128x128xf32>, vector<256x128xf32> -> vector<256x128xf32>
    %add3A_215 = arith.addf %squeeze3A_212, %dot_general3A_214 : vector<256x128xf32>
    %max3A_216 = arith.constant 0.000000e+00 : f32
    %max3A_217 = vector.broadcast %max3A_216 : f32 to vector<256x128xf32>
    %max3A_218 = arith.maximumf %add3A_215, %max3A_217 : vector<256x128xf32>
    %slice3A_219 = vector.extract_strided_slice %get3A_33 {offsets = [0, 8], sizes = [256, 1], strides = [1, 1]} : vector<256x32xf32> to vector<256x1xf32>
    %mul3A_220 = arith.mulf %slice3A_219, %select_n3A_45 : vector<256x1xf32>
    %mul3A_221 = vector.broadcast %mul3A_220 : vector<256x1xf32> to vector<256x128xf32>
    %mul3A_222 = arith.mulf %max3A_218, %mul3A_221 : vector<256x128xf32>
    %add3A_223 = arith.addf %add3A_203, %mul3A_222 : vector<256x128xf32>
    %slice3A_224 = vector.extract_strided_slice %get3A_30 {offsets = [0, 9], sizes = [256, 1], strides = [1, 1]} : vector<256x32xf32> to vector<256x1xf32>
    %mul3A_225 = vector.broadcast %slice3A_224 : vector<256x1xf32> to vector<256x128xf32>
    %mul3A_226 = vector.broadcast %get3A_24 : vector<1x128xf32> to vector<256x128xf32>
    %mul3A_227 = arith.mulf %mul3A_225, %mul3A_226 : vector<256x128xf32>
    %add3A_228 = vector.broadcast %get3A_27 : vector<1x128xf32> to vector<256x128xf32>
    %add3A_229 = arith.addf %mul3A_227, %add3A_228 : vector<256x128xf32>
    %cos3A_230 = math.cos %add3A_229 : vector<256x128xf32>
    %slice3A_231 = vector.extract_strided_slice %reshape3A_20 {offsets = [9, 0, 0], sizes = [1, 256, 128], strides = [1, 1, 1]} : vector<32x256x128xf32> to vector<1x256x128xf32>
    %squeeze3A_232 = vector.shape_cast %slice3A_231 : vector<1x256x128xf32> to vector<256x128xf32>
    %dot_general3A_233 = arith.constant dense<0.000000e+00> : vector<256x128xf32>
    %dot_general3A_234 = tpu.matmul %cos3A_230, %slice3A_21, %dot_general3A_233 {dimension_numbers = #tpu.dot_dimension_numbers<[1], [0], [0], [1], [0, 0, 1, 1], [], []>, transpose_lhs_hint = false} : vector<256x128xf32>, vector<128x128xf32>, vector<256x128xf32> -> vector<256x128xf32>
    %add3A_235 = arith.addf %squeeze3A_232, %dot_general3A_234 : vector<256x128xf32>
    %max3A_236 = arith.constant 0.000000e+00 : f32
    %max3A_237 = vector.broadcast %max3A_236 : f32 to vector<256x128xf32>
    %max3A_238 = arith.maximumf %add3A_235, %max3A_237 : vector<256x128xf32>
    %slice3A_239 = vector.extract_strided_slice %get3A_33 {offsets = [0, 9], sizes = [256, 1], strides = [1, 1]} : vector<256x32xf32> to vector<256x1xf32>
    %mul3A_240 = arith.mulf %slice3A_239, %select_n3A_45 : vector<256x1xf32>
    %mul3A_241 = vector.broadcast %mul3A_240 : vector<256x1xf32> to vector<256x128xf32>
    %mul3A_242 = arith.mulf %max3A_238, %mul3A_241 : vector<256x128xf32>
    %add3A_243 = arith.addf %add3A_223, %mul3A_242 : vector<256x128xf32>
    %slice3A_244 = vector.extract_strided_slice %get3A_30 {offsets = [0, 10], sizes = [256, 1], strides = [1, 1]} : vector<256x32xf32> to vector<256x1xf32>
    %mul3A_245 = vector.broadcast %slice3A_244 : vector<256x1xf32> to vector<256x128xf32>
    %mul3A_246 = vector.broadcast %get3A_24 : vector<1x128xf32> to vector<256x128xf32>
    %mul3A_247 = arith.mulf %mul3A_245, %mul3A_246 : vector<256x128xf32>
    %add3A_248 = vector.broadcast %get3A_27 : vector<1x128xf32> to vector<256x128xf32>
    %add3A_249 = arith.addf %mul3A_247, %add3A_248 : vector<256x128xf32>
    %cos3A_250 = math.cos %add3A_249 : vector<256x128xf32>
    %slice3A_251 = vector.extract_strided_slice %reshape3A_20 {offsets = [10, 0, 0], sizes = [1, 256, 128], strides = [1, 1, 1]} : vector<32x256x128xf32> to vector<1x256x128xf32>
    %squeeze3A_252 = vector.shape_cast %slice3A_251 : vector<1x256x128xf32> to vector<256x128xf32>
    %dot_general3A_253 = arith.constant dense<0.000000e+00> : vector<256x128xf32>
    %dot_general3A_254 = tpu.matmul %cos3A_250, %slice3A_21, %dot_general3A_253 {dimension_numbers = #tpu.dot_dimension_numbers<[1], [0], [0], [1], [0, 0, 1, 1], [], []>, transpose_lhs_hint = false} : vector<256x128xf32>, vector<128x128xf32>, vector<256x128xf32> -> vector<256x128xf32>
    %add3A_255 = arith.addf %squeeze3A_252, %dot_general3A_254 : vector<256x128xf32>
    %max3A_256 = arith.constant 0.000000e+00 : f32
    %max3A_257 = vector.broadcast %max3A_256 : f32 to vector<256x128xf32>
    %max3A_258 = arith.maximumf %add3A_255, %max3A_257 : vector<256x128xf32>
    %slice3A_259 = vector.extract_strided_slice %get3A_33 {offsets = [0, 10], sizes = [256, 1], strides = [1, 1]} : vector<256x32xf32> to vector<256x1xf32>
    %mul3A_260 = arith.mulf %slice3A_259, %select_n3A_45 : vector<256x1xf32>
    %mul3A_261 = vector.broadcast %mul3A_260 : vector<256x1xf32> to vector<256x128xf32>
    %mul3A_262 = arith.mulf %max3A_258, %mul3A_261 : vector<256x128xf32>
    %add3A_263 = arith.addf %add3A_243, %mul3A_262 : vector<256x128xf32>
    %slice3A_264 = vector.extract_strided_slice %get3A_30 {offsets = [0, 11], sizes = [256, 1], strides = [1, 1]} : vector<256x32xf32> to vector<256x1xf32>
    %mul3A_265 = vector.broadcast %slice3A_264 : vector<256x1xf32> to vector<256x128xf32>
    %mul3A_266 = vector.broadcast %get3A_24 : vector<1x128xf32> to vector<256x128xf32>
    %mul3A_267 = arith.mulf %mul3A_265, %mul3A_266 : vector<256x128xf32>
    %add3A_268 = vector.broadcast %get3A_27 : vector<1x128xf32> to vector<256x128xf32>
    %add3A_269 = arith.addf %mul3A_267, %add3A_268 : vector<256x128xf32>
    %cos3A_270 = math.cos %add3A_269 : vector<256x128xf32>
    %slice3A_271 = vector.extract_strided_slice %reshape3A_20 {offsets = [11, 0, 0], sizes = [1, 256, 128], strides = [1, 1, 1]} : vector<32x256x128xf32> to vector<1x256x128xf32>
    %squeeze3A_272 = vector.shape_cast %slice3A_271 : vector<1x256x128xf32> to vector<256x128xf32>
    %dot_general3A_273 = arith.constant dense<0.000000e+00> : vector<256x128xf32>
    %dot_general3A_274 = tpu.matmul %cos3A_270, %slice3A_21, %dot_general3A_273 {dimension_numbers = #tpu.dot_dimension_numbers<[1], [0], [0], [1], [0, 0, 1, 1], [], []>, transpose_lhs_hint = false} : vector<256x128xf32>, vector<128x128xf32>, vector<256x128xf32> -> vector<256x128xf32>
    %add3A_275 = arith.addf %squeeze3A_272, %dot_general3A_274 : vector<256x128xf32>
    %max3A_276 = arith.constant 0.000000e+00 : f32
    %max3A_277 = vector.broadcast %max3A_276 : f32 to vector<256x128xf32>
    %max3A_278 = arith.maximumf %add3A_275, %max3A_277 : vector<256x128xf32>
    %slice3A_279 = vector.extract_strided_slice %get3A_33 {offsets = [0, 11], sizes = [256, 1], strides = [1, 1]} : vector<256x32xf32> to vector<256x1xf32>
    %mul3A_280 = arith.mulf %slice3A_279, %select_n3A_45 : vector<256x1xf32>
    %mul3A_281 = vector.broadcast %mul3A_280 : vector<256x1xf32> to vector<256x128xf32>
    %mul3A_282 = arith.mulf %max3A_278, %mul3A_281 : vector<256x128xf32>
    %add3A_283 = arith.addf %add3A_263, %mul3A_282 : vector<256x128xf32>
    %slice3A_284 = vector.extract_strided_slice %get3A_30 {offsets = [0, 12], sizes = [256, 1], strides = [1, 1]} : vector<256x32xf32> to vector<256x1xf32>
    %mul3A_285 = vector.broadcast %slice3A_284 : vector<256x1xf32> to vector<256x128xf32>
    %mul3A_286 = vector.broadcast %get3A_24 : vector<1x128xf32> to vector<256x128xf32>
    %mul3A_287 = arith.mulf %mul3A_285, %mul3A_286 : vector<256x128xf32>
    %add3A_288 = vector.broadcast %get3A_27 : vector<1x128xf32> to vector<256x128xf32>
    %add3A_289 = arith.addf %mul3A_287, %add3A_288 : vector<256x128xf32>
    %cos3A_290 = math.cos %add3A_289 : vector<256x128xf32>
    %slice3A_291 = vector.extract_strided_slice %reshape3A_20 {offsets = [12, 0, 0], sizes = [1, 256, 128], strides = [1, 1, 1]} : vector<32x256x128xf32> to vector<1x256x128xf32>
    %squeeze3A_292 = vector.shape_cast %slice3A_291 : vector<1x256x128xf32> to vector<256x128xf32>
    %dot_general3A_293 = arith.constant dense<0.000000e+00> : vector<256x128xf32>
    %dot_general3A_294 = tpu.matmul %cos3A_290, %slice3A_21, %dot_general3A_293 {dimension_numbers = #tpu.dot_dimension_numbers<[1], [0], [0], [1], [0, 0, 1, 1], [], []>, transpose_lhs_hint = false} : vector<256x128xf32>, vector<128x128xf32>, vector<256x128xf32> -> vector<256x128xf32>
    %add3A_295 = arith.addf %squeeze3A_292, %dot_general3A_294 : vector<256x128xf32>
    %max3A_296 = arith.constant 0.000000e+00 : f32
    %max3A_297 = vector.broadcast %max3A_296 : f32 to vector<256x128xf32>
    %max3A_298 = arith.maximumf %add3A_295, %max3A_297 : vector<256x128xf32>
    %slice3A_299 = vector.extract_strided_slice %get3A_33 {offsets = [0, 12], sizes = [256, 1], strides = [1, 1]} : vector<256x32xf32> to vector<256x1xf32>
    %mul3A_300 = arith.mulf %slice3A_299, %select_n3A_45 : vector<256x1xf32>
    %mul3A_301 = vector.broadcast %mul3A_300 : vector<256x1xf32> to vector<256x128xf32>
    %mul3A_302 = arith.mulf %max3A_298, %mul3A_301 : vector<256x128xf32>
    %add3A_303 = arith.addf %add3A_283, %mul3A_302 : vector<256x128xf32>
    %slice3A_304 = vector.extract_strided_slice %get3A_30 {offsets = [0, 13], sizes = [256, 1], strides = [1, 1]} : vector<256x32xf32> to vector<256x1xf32>
    %mul3A_305 = vector.broadcast %slice3A_304 : vector<256x1xf32> to vector<256x128xf32>
    %mul3A_306 = vector.broadcast %get3A_24 : vector<1x128xf32> to vector<256x128xf32>
    %mul3A_307 = arith.mulf %mul3A_305, %mul3A_306 : vector<256x128xf32>
    %add3A_308 = vector.broadcast %get3A_27 : vector<1x128xf32> to vector<256x128xf32>
    %add3A_309 = arith.addf %mul3A_307, %add3A_308 : vector<256x128xf32>
    %cos3A_310 = math.cos %add3A_309 : vector<256x128xf32>
    %slice3A_311 = vector.extract_strided_slice %reshape3A_20 {offsets = [13, 0, 0], sizes = [1, 256, 128], strides = [1, 1, 1]} : vector<32x256x128xf32> to vector<1x256x128xf32>
    %squeeze3A_312 = vector.shape_cast %slice3A_311 : vector<1x256x128xf32> to vector<256x128xf32>
    %dot_general3A_313 = arith.constant dense<0.000000e+00> : vector<256x128xf32>
    %dot_general3A_314 = tpu.matmul %cos3A_310, %slice3A_21, %dot_general3A_313 {dimension_numbers = #tpu.dot_dimension_numbers<[1], [0], [0], [1], [0, 0, 1, 1], [], []>, transpose_lhs_hint = false} : vector<256x128xf32>, vector<128x128xf32>, vector<256x128xf32> -> vector<256x128xf32>
    %add3A_315 = arith.addf %squeeze3A_312, %dot_general3A_314 : vector<256x128xf32>
    %max3A_316 = arith.constant 0.000000e+00 : f32
    %max3A_317 = vector.broadcast %max3A_316 : f32 to vector<256x128xf32>
    %max3A_318 = arith.maximumf %add3A_315, %max3A_317 : vector<256x128xf32>
    %slice3A_319 = vector.extract_strided_slice %get3A_33 {offsets = [0, 13], sizes = [256, 1], strides = [1, 1]} : vector<256x32xf32> to vector<256x1xf32>
    %mul3A_320 = arith.mulf %slice3A_319, %select_n3A_45 : vector<256x1xf32>
    %mul3A_321 = vector.broadcast %mul3A_320 : vector<256x1xf32> to vector<256x128xf32>
    %mul3A_322 = arith.mulf %max3A_318, %mul3A_321 : vector<256x128xf32>
    %add3A_323 = arith.addf %add3A_303, %mul3A_322 : vector<256x128xf32>
    %slice3A_324 = vector.extract_strided_slice %get3A_30 {offsets = [0, 14], sizes = [256, 1], strides = [1, 1]} : vector<256x32xf32> to vector<256x1xf32>
    %mul3A_325 = vector.broadcast %slice3A_324 : vector<256x1xf32> to vector<256x128xf32>
    %mul3A_326 = vector.broadcast %get3A_24 : vector<1x128xf32> to vector<256x128xf32>
    %mul3A_327 = arith.mulf %mul3A_325, %mul3A_326 : vector<256x128xf32>
    %add3A_328 = vector.broadcast %get3A_27 : vector<1x128xf32> to vector<256x128xf32>
    %add3A_329 = arith.addf %mul3A_327, %add3A_328 : vector<256x128xf32>
    %cos3A_330 = math.cos %add3A_329 : vector<256x128xf32>
    %slice3A_331 = vector.extract_strided_slice %reshape3A_20 {offsets = [14, 0, 0], sizes = [1, 256, 128], strides = [1, 1, 1]} : vector<32x256x128xf32> to vector<1x256x128xf32>
    %squeeze3A_332 = vector.shape_cast %slice3A_331 : vector<1x256x128xf32> to vector<256x128xf32>
    %dot_general3A_333 = arith.constant dense<0.000000e+00> : vector<256x128xf32>
    %dot_general3A_334 = tpu.matmul %cos3A_330, %slice3A_21, %dot_general3A_333 {dimension_numbers = #tpu.dot_dimension_numbers<[1], [0], [0], [1], [0, 0, 1, 1], [], []>, transpose_lhs_hint = false} : vector<256x128xf32>, vector<128x128xf32>, vector<256x128xf32> -> vector<256x128xf32>
    %add3A_335 = arith.addf %squeeze3A_332, %dot_general3A_334 : vector<256x128xf32>
    %max3A_336 = arith.constant 0.000000e+00 : f32
    %max3A_337 = vector.broadcast %max3A_336 : f32 to vector<256x128xf32>
    %max3A_338 = arith.maximumf %add3A_335, %max3A_337 : vector<256x128xf32>
    %slice3A_339 = vector.extract_strided_slice %get3A_33 {offsets = [0, 14], sizes = [256, 1], strides = [1, 1]} : vector<256x32xf32> to vector<256x1xf32>
    %mul3A_340 = arith.mulf %slice3A_339, %select_n3A_45 : vector<256x1xf32>
    %mul3A_341 = vector.broadcast %mul3A_340 : vector<256x1xf32> to vector<256x128xf32>
    %mul3A_342 = arith.mulf %max3A_338, %mul3A_341 : vector<256x128xf32>
    %add3A_343 = arith.addf %add3A_323, %mul3A_342 : vector<256x128xf32>
    %slice3A_344 = vector.extract_strided_slice %get3A_30 {offsets = [0, 15], sizes = [256, 1], strides = [1, 1]} : vector<256x32xf32> to vector<256x1xf32>
    %mul3A_345 = vector.broadcast %slice3A_344 : vector<256x1xf32> to vector<256x128xf32>
    %mul3A_346 = vector.broadcast %get3A_24 : vector<1x128xf32> to vector<256x128xf32>
    %mul3A_347 = arith.mulf %mul3A_345, %mul3A_346 : vector<256x128xf32>
    %add3A_348 = vector.broadcast %get3A_27 : vector<1x128xf32> to vector<256x128xf32>
    %add3A_349 = arith.addf %mul3A_347, %add3A_348 : vector<256x128xf32>
    %cos3A_350 = math.cos %add3A_349 : vector<256x128xf32>
    %slice3A_351 = vector.extract_strided_slice %reshape3A_20 {offsets = [15, 0, 0], sizes = [1, 256, 128], strides = [1, 1, 1]} : vector<32x256x128xf32> to vector<1x256x128xf32>
    %squeeze3A_352 = vector.shape_cast %slice3A_351 : vector<1x256x128xf32> to vector<256x128xf32>
    %dot_general3A_353 = arith.constant dense<0.000000e+00> : vector<256x128xf32>
    %dot_general3A_354 = tpu.matmul %cos3A_350, %slice3A_21, %dot_general3A_353 {dimension_numbers = #tpu.dot_dimension_numbers<[1], [0], [0], [1], [0, 0, 1, 1], [], []>, transpose_lhs_hint = false} : vector<256x128xf32>, vector<128x128xf32>, vector<256x128xf32> -> vector<256x128xf32>
    %add3A_355 = arith.addf %squeeze3A_352, %dot_general3A_354 : vector<256x128xf32>
    %max3A_356 = arith.constant 0.000000e+00 : f32
    %max3A_357 = vector.broadcast %max3A_356 : f32 to vector<256x128xf32>
    %max3A_358 = arith.maximumf %add3A_355, %max3A_357 : vector<256x128xf32>
    %slice3A_359 = vector.extract_strided_slice %get3A_33 {offsets = [0, 15], sizes = [256, 1], strides = [1, 1]} : vector<256x32xf32> to vector<256x1xf32>
    %mul3A_360 = arith.mulf %slice3A_359, %select_n3A_45 : vector<256x1xf32>
    %mul3A_361 = vector.broadcast %mul3A_360 : vector<256x1xf32> to vector<256x128xf32>
    %mul3A_362 = arith.mulf %max3A_358, %mul3A_361 : vector<256x128xf32>
    %add3A_363 = arith.addf %add3A_343, %mul3A_362 : vector<256x128xf32>
    %slice3A_364 = vector.extract_strided_slice %get3A_30 {offsets = [0, 16], sizes = [256, 1], strides = [1, 1]} : vector<256x32xf32> to vector<256x1xf32>
    %mul3A_365 = vector.broadcast %slice3A_364 : vector<256x1xf32> to vector<256x128xf32>
    %mul3A_366 = vector.broadcast %get3A_24 : vector<1x128xf32> to vector<256x128xf32>
    %mul3A_367 = arith.mulf %mul3A_365, %mul3A_366 : vector<256x128xf32>
    %add3A_368 = vector.broadcast %get3A_27 : vector<1x128xf32> to vector<256x128xf32>
    %add3A_369 = arith.addf %mul3A_367, %add3A_368 : vector<256x128xf32>
    %cos3A_370 = math.cos %add3A_369 : vector<256x128xf32>
    %slice3A_371 = vector.extract_strided_slice %reshape3A_20 {offsets = [16, 0, 0], sizes = [1, 256, 128], strides = [1, 1, 1]} : vector<32x256x128xf32> to vector<1x256x128xf32>
    %squeeze3A_372 = vector.shape_cast %slice3A_371 : vector<1x256x128xf32> to vector<256x128xf32>
    %dot_general3A_373 = arith.constant dense<0.000000e+00> : vector<256x128xf32>
    %dot_general3A_374 = tpu.matmul %cos3A_370, %slice3A_21, %dot_general3A_373 {dimension_numbers = #tpu.dot_dimension_numbers<[1], [0], [0], [1], [0, 0, 1, 1], [], []>, transpose_lhs_hint = false} : vector<256x128xf32>, vector<128x128xf32>, vector<256x128xf32> -> vector<256x128xf32>
    %add3A_375 = arith.addf %squeeze3A_372, %dot_general3A_374 : vector<256x128xf32>
    %max3A_376 = arith.constant 0.000000e+00 : f32
    %max3A_377 = vector.broadcast %max3A_376 : f32 to vector<256x128xf32>
    %max3A_378 = arith.maximumf %add3A_375, %max3A_377 : vector<256x128xf32>
    %slice3A_379 = vector.extract_strided_slice %get3A_33 {offsets = [0, 16], sizes = [256, 1], strides = [1, 1]} : vector<256x32xf32> to vector<256x1xf32>
    %mul3A_380 = arith.mulf %slice3A_379, %select_n3A_45 : vector<256x1xf32>
    %mul3A_381 = vector.broadcast %mul3A_380 : vector<256x1xf32> to vector<256x128xf32>
    %mul3A_382 = arith.mulf %max3A_378, %mul3A_381 : vector<256x128xf32>
    %add3A_383 = arith.addf %add3A_363, %mul3A_382 : vector<256x128xf32>
    %slice3A_384 = vector.extract_strided_slice %get3A_30 {offsets = [0, 17], sizes = [256, 1], strides = [1, 1]} : vector<256x32xf32> to vector<256x1xf32>
    %mul3A_385 = vector.broadcast %slice3A_384 : vector<256x1xf32> to vector<256x128xf32>
    %mul3A_386 = vector.broadcast %get3A_24 : vector<1x128xf32> to vector<256x128xf32>
    %mul3A_387 = arith.mulf %mul3A_385, %mul3A_386 : vector<256x128xf32>
    %add3A_388 = vector.broadcast %get3A_27 : vector<1x128xf32> to vector<256x128xf32>
    %add3A_389 = arith.addf %mul3A_387, %add3A_388 : vector<256x128xf32>
    %cos3A_390 = math.cos %add3A_389 : vector<256x128xf32>
    %slice3A_391 = vector.extract_strided_slice %reshape3A_20 {offsets = [17, 0, 0], sizes = [1, 256, 128], strides = [1, 1, 1]} : vector<32x256x128xf32> to vector<1x256x128xf32>
    %squeeze3A_392 = vector.shape_cast %slice3A_391 : vector<1x256x128xf32> to vector<256x128xf32>
    %dot_general3A_393 = arith.constant dense<0.000000e+00> : vector<256x128xf32>
    %dot_general3A_394 = tpu.matmul %cos3A_390, %slice3A_21, %dot_general3A_393 {dimension_numbers = #tpu.dot_dimension_numbers<[1], [0], [0], [1], [0, 0, 1, 1], [], []>, transpose_lhs_hint = false} : vector<256x128xf32>, vector<128x128xf32>, vector<256x128xf32> -> vector<256x128xf32>
    %add3A_395 = arith.addf %squeeze3A_392, %dot_general3A_394 : vector<256x128xf32>
    %max3A_396 = arith.constant 0.000000e+00 : f32
    %max3A_397 = vector.broadcast %max3A_396 : f32 to vector<256x128xf32>
    %max3A_398 = arith.maximumf %add3A_395, %max3A_397 : vector<256x128xf32>
    %slice3A_399 = vector.extract_strided_slice %get3A_33 {offsets = [0, 17], sizes = [256, 1], strides = [1, 1]} : vector<256x32xf32> to vector<256x1xf32>
    %mul3A_400 = arith.mulf %slice3A_399, %select_n3A_45 : vector<256x1xf32>
    %mul3A_401 = vector.broadcast %mul3A_400 : vector<256x1xf32> to vector<256x128xf32>
    %mul3A_402 = arith.mulf %max3A_398, %mul3A_401 : vector<256x128xf32>
    %add3A_403 = arith.addf %add3A_383, %mul3A_402 : vector<256x128xf32>
    %slice3A_404 = vector.extract_strided_slice %get3A_30 {offsets = [0, 18], sizes = [256, 1], strides = [1, 1]} : vector<256x32xf32> to vector<256x1xf32>
    %mul3A_405 = vector.broadcast %slice3A_404 : vector<256x1xf32> to vector<256x128xf32>
    %mul3A_406 = vector.broadcast %get3A_24 : vector<1x128xf32> to vector<256x128xf32>
    %mul3A_407 = arith.mulf %mul3A_405, %mul3A_406 : vector<256x128xf32>
    %add3A_408 = vector.broadcast %get3A_27 : vector<1x128xf32> to vector<256x128xf32>
    %add3A_409 = arith.addf %mul3A_407, %add3A_408 : vector<256x128xf32>
    %cos3A_410 = math.cos %add3A_409 : vector<256x128xf32>
    %slice3A_411 = vector.extract_strided_slice %reshape3A_20 {offsets = [18, 0, 0], sizes = [1, 256, 128], strides = [1, 1, 1]} : vector<32x256x128xf32> to vector<1x256x128xf32>
    %squeeze3A_412 = vector.shape_cast %slice3A_411 : vector<1x256x128xf32> to vector<256x128xf32>
    %dot_general3A_413 = arith.constant dense<0.000000e+00> : vector<256x128xf32>
    %dot_general3A_414 = tpu.matmul %cos3A_410, %slice3A_21, %dot_general3A_413 {dimension_numbers = #tpu.dot_dimension_numbers<[1], [0], [0], [1], [0, 0, 1, 1], [], []>, transpose_lhs_hint = false} : vector<256x128xf32>, vector<128x128xf32>, vector<256x128xf32> -> vector<256x128xf32>
    %add3A_415 = arith.addf %squeeze3A_412, %dot_general3A_414 : vector<256x128xf32>
    %max3A_416 = arith.constant 0.000000e+00 : f32
    %max3A_417 = vector.broadcast %max3A_416 : f32 to vector<256x128xf32>
    %max3A_418 = arith.maximumf %add3A_415, %max3A_417 : vector<256x128xf32>
    %slice3A_419 = vector.extract_strided_slice %get3A_33 {offsets = [0, 18], sizes = [256, 1], strides = [1, 1]} : vector<256x32xf32> to vector<256x1xf32>
    %mul3A_420 = arith.mulf %slice3A_419, %select_n3A_45 : vector<256x1xf32>
    %mul3A_421 = vector.broadcast %mul3A_420 : vector<256x1xf32> to vector<256x128xf32>
    %mul3A_422 = arith.mulf %max3A_418, %mul3A_421 : vector<256x128xf32>
    %add3A_423 = arith.addf %add3A_403, %mul3A_422 : vector<256x128xf32>
    %slice3A_424 = vector.extract_strided_slice %get3A_30 {offsets = [0, 19], sizes = [256, 1], strides = [1, 1]} : vector<256x32xf32> to vector<256x1xf32>
    %mul3A_425 = vector.broadcast %slice3A_424 : vector<256x1xf32> to vector<256x128xf32>
    %mul3A_426 = vector.broadcast %get3A_24 : vector<1x128xf32> to vector<256x128xf32>
    %mul3A_427 = arith.mulf %mul3A_425, %mul3A_426 : vector<256x128xf32>
    %add3A_428 = vector.broadcast %get3A_27 : vector<1x128xf32> to vector<256x128xf32>
    %add3A_429 = arith.addf %mul3A_427, %add3A_428 : vector<256x128xf32>
    %cos3A_430 = math.cos %add3A_429 : vector<256x128xf32>
    %slice3A_431 = vector.extract_strided_slice %reshape3A_20 {offsets = [19, 0, 0], sizes = [1, 256, 128], strides = [1, 1, 1]} : vector<32x256x128xf32> to vector<1x256x128xf32>
    %squeeze3A_432 = vector.shape_cast %slice3A_431 : vector<1x256x128xf32> to vector<256x128xf32>
    %dot_general3A_433 = arith.constant dense<0.000000e+00> : vector<256x128xf32>
    %dot_general3A_434 = tpu.matmul %cos3A_430, %slice3A_21, %dot_general3A_433 {dimension_numbers = #tpu.dot_dimension_numbers<[1], [0], [0], [1], [0, 0, 1, 1], [], []>, transpose_lhs_hint = false} : vector<256x128xf32>, vector<128x128xf32>, vector<256x128xf32> -> vector<256x128xf32>
    %add3A_435 = arith.addf %squeeze3A_432, %dot_general3A_434 : vector<256x128xf32>
    %max3A_436 = arith.constant 0.000000e+00 : f32
    %max3A_437 = vector.broadcast %max3A_436 : f32 to vector<256x128xf32>
    %max3A_438 = arith.maximumf %add3A_435, %max3A_437 : vector<256x128xf32>
    %slice3A_439 = vector.extract_strided_slice %get3A_33 {offsets = [0, 19], sizes = [256, 1], strides = [1, 1]} : vector<256x32xf32> to vector<256x1xf32>
    %mul3A_440 = arith.mulf %slice3A_439, %select_n3A_45 : vector<256x1xf32>
    %mul3A_441 = vector.broadcast %mul3A_440 : vector<256x1xf32> to vector<256x128xf32>
    %mul3A_442 = arith.mulf %max3A_438, %mul3A_441 : vector<256x128xf32>
    %add3A_443 = arith.addf %add3A_423, %mul3A_442 : vector<256x128xf32>
    %slice3A_444 = vector.extract_strided_slice %get3A_30 {offsets = [0, 20], sizes = [256, 1], strides = [1, 1]} : vector<256x32xf32> to vector<256x1xf32>
    %mul3A_445 = vector.broadcast %slice3A_444 : vector<256x1xf32> to vector<256x128xf32>
    %mul3A_446 = vector.broadcast %get3A_24 : vector<1x128xf32> to vector<256x128xf32>
    %mul3A_447 = arith.mulf %mul3A_445, %mul3A_446 : vector<256x128xf32>
    %add3A_448 = vector.broadcast %get3A_27 : vector<1x128xf32> to vector<256x128xf32>
    %add3A_449 = arith.addf %mul3A_447, %add3A_448 : vector<256x128xf32>
    %cos3A_450 = math.cos %add3A_449 : vector<256x128xf32>
    %slice3A_451 = vector.extract_strided_slice %reshape3A_20 {offsets = [20, 0, 0], sizes = [1, 256, 128], strides = [1, 1, 1]} : vector<32x256x128xf32> to vector<1x256x128xf32>
    %squeeze3A_452 = vector.shape_cast %slice3A_451 : vector<1x256x128xf32> to vector<256x128xf32>
    %dot_general3A_453 = arith.constant dense<0.000000e+00> : vector<256x128xf32>
    %dot_general3A_454 = tpu.matmul %cos3A_450, %slice3A_21, %dot_general3A_453 {dimension_numbers = #tpu.dot_dimension_numbers<[1], [0], [0], [1], [0, 0, 1, 1], [], []>, transpose_lhs_hint = false} : vector<256x128xf32>, vector<128x128xf32>, vector<256x128xf32> -> vector<256x128xf32>
    %add3A_455 = arith.addf %squeeze3A_452, %dot_general3A_454 : vector<256x128xf32>
    %max3A_456 = arith.constant 0.000000e+00 : f32
    %max3A_457 = vector.broadcast %max3A_456 : f32 to vector<256x128xf32>
    %max3A_458 = arith.maximumf %add3A_455, %max3A_457 : vector<256x128xf32>
    %slice3A_459 = vector.extract_strided_slice %get3A_33 {offsets = [0, 20], sizes = [256, 1], strides = [1, 1]} : vector<256x32xf32> to vector<256x1xf32>
    %mul3A_460 = arith.mulf %slice3A_459, %select_n3A_45 : vector<256x1xf32>
    %mul3A_461 = vector.broadcast %mul3A_460 : vector<256x1xf32> to vector<256x128xf32>
    %mul3A_462 = arith.mulf %max3A_458, %mul3A_461 : vector<256x128xf32>
    %add3A_463 = arith.addf %add3A_443, %mul3A_462 : vector<256x128xf32>
    %slice3A_464 = vector.extract_strided_slice %get3A_30 {offsets = [0, 21], sizes = [256, 1], strides = [1, 1]} : vector<256x32xf32> to vector<256x1xf32>
    %mul3A_465 = vector.broadcast %slice3A_464 : vector<256x1xf32> to vector<256x128xf32>
    %mul3A_466 = vector.broadcast %get3A_24 : vector<1x128xf32> to vector<256x128xf32>
    %mul3A_467 = arith.mulf %mul3A_465, %mul3A_466 : vector<256x128xf32>
    %add3A_468 = vector.broadcast %get3A_27 : vector<1x128xf32> to vector<256x128xf32>
    %add3A_469 = arith.addf %mul3A_467, %add3A_468 : vector<256x128xf32>
    %cos3A_470 = math.cos %add3A_469 : vector<256x128xf32>
    %slice3A_471 = vector.extract_strided_slice %reshape3A_20 {offsets = [21, 0, 0], sizes = [1, 256, 128], strides = [1, 1, 1]} : vector<32x256x128xf32> to vector<1x256x128xf32>
    %squeeze3A_472 = vector.shape_cast %slice3A_471 : vector<1x256x128xf32> to vector<256x128xf32>
    %dot_general3A_473 = arith.constant dense<0.000000e+00> : vector<256x128xf32>
    %dot_general3A_474 = tpu.matmul %cos3A_470, %slice3A_21, %dot_general3A_473 {dimension_numbers = #tpu.dot_dimension_numbers<[1], [0], [0], [1], [0, 0, 1, 1], [], []>, transpose_lhs_hint = false} : vector<256x128xf32>, vector<128x128xf32>, vector<256x128xf32> -> vector<256x128xf32>
    %add3A_475 = arith.addf %squeeze3A_472, %dot_general3A_474 : vector<256x128xf32>
    %max3A_476 = arith.constant 0.000000e+00 : f32
    %max3A_477 = vector.broadcast %max3A_476 : f32 to vector<256x128xf32>
    %max3A_478 = arith.maximumf %add3A_475, %max3A_477 : vector<256x128xf32>
    %slice3A_479 = vector.extract_strided_slice %get3A_33 {offsets = [0, 21], sizes = [256, 1], strides = [1, 1]} : vector<256x32xf32> to vector<256x1xf32>
    %mul3A_480 = arith.mulf %slice3A_479, %select_n3A_45 : vector<256x1xf32>
    %mul3A_481 = vector.broadcast %mul3A_480 : vector<256x1xf32> to vector<256x128xf32>
    %mul3A_482 = arith.mulf %max3A_478, %mul3A_481 : vector<256x128xf32>
    %add3A_483 = arith.addf %add3A_463, %mul3A_482 : vector<256x128xf32>
    %slice3A_484 = vector.extract_strided_slice %get3A_30 {offsets = [0, 22], sizes = [256, 1], strides = [1, 1]} : vector<256x32xf32> to vector<256x1xf32>
    %mul3A_485 = vector.broadcast %slice3A_484 : vector<256x1xf32> to vector<256x128xf32>
    %mul3A_486 = vector.broadcast %get3A_24 : vector<1x128xf32> to vector<256x128xf32>
    %mul3A_487 = arith.mulf %mul3A_485, %mul3A_486 : vector<256x128xf32>
    %add3A_488 = vector.broadcast %get3A_27 : vector<1x128xf32> to vector<256x128xf32>
    %add3A_489 = arith.addf %mul3A_487, %add3A_488 : vector<256x128xf32>
    %cos3A_490 = math.cos %add3A_489 : vector<256x128xf32>
    %slice3A_491 = vector.extract_strided_slice %reshape3A_20 {offsets = [22, 0, 0], sizes = [1, 256, 128], strides = [1, 1, 1]} : vector<32x256x128xf32> to vector<1x256x128xf32>
    %squeeze3A_492 = vector.shape_cast %slice3A_491 : vector<1x256x128xf32> to vector<256x128xf32>
    %dot_general3A_493 = arith.constant dense<0.000000e+00> : vector<256x128xf32>
    %dot_general3A_494 = tpu.matmul %cos3A_490, %slice3A_21, %dot_general3A_493 {dimension_numbers = #tpu.dot_dimension_numbers<[1], [0], [0], [1], [0, 0, 1, 1], [], []>, transpose_lhs_hint = false} : vector<256x128xf32>, vector<128x128xf32>, vector<256x128xf32> -> vector<256x128xf32>
    %add3A_495 = arith.addf %squeeze3A_492, %dot_general3A_494 : vector<256x128xf32>
    %max3A_496 = arith.constant 0.000000e+00 : f32
    %max3A_497 = vector.broadcast %max3A_496 : f32 to vector<256x128xf32>
    %max3A_498 = arith.maximumf %add3A_495, %max3A_497 : vector<256x128xf32>
    %slice3A_499 = vector.extract_strided_slice %get3A_33 {offsets = [0, 22], sizes = [256, 1], strides = [1, 1]} : vector<256x32xf32> to vector<256x1xf32>
    %mul3A_500 = arith.mulf %slice3A_499, %select_n3A_45 : vector<256x1xf32>
    %mul3A_501 = vector.broadcast %mul3A_500 : vector<256x1xf32> to vector<256x128xf32>
    %mul3A_502 = arith.mulf %max3A_498, %mul3A_501 : vector<256x128xf32>
    %add3A_503 = arith.addf %add3A_483, %mul3A_502 : vector<256x128xf32>
    %slice3A_504 = vector.extract_strided_slice %get3A_30 {offsets = [0, 23], sizes = [256, 1], strides = [1, 1]} : vector<256x32xf32> to vector<256x1xf32>
    %mul3A_505 = vector.broadcast %slice3A_504 : vector<256x1xf32> to vector<256x128xf32>
    %mul3A_506 = vector.broadcast %get3A_24 : vector<1x128xf32> to vector<256x128xf32>
    %mul3A_507 = arith.mulf %mul3A_505, %mul3A_506 : vector<256x128xf32>
    %add3A_508 = vector.broadcast %get3A_27 : vector<1x128xf32> to vector<256x128xf32>
    %add3A_509 = arith.addf %mul3A_507, %add3A_508 : vector<256x128xf32>
    %cos3A_510 = math.cos %add3A_509 : vector<256x128xf32>
    %slice3A_511 = vector.extract_strided_slice %reshape3A_20 {offsets = [23, 0, 0], sizes = [1, 256, 128], strides = [1, 1, 1]} : vector<32x256x128xf32> to vector<1x256x128xf32>
    %squeeze3A_512 = vector.shape_cast %slice3A_511 : vector<1x256x128xf32> to vector<256x128xf32>
    %dot_general3A_513 = arith.constant dense<0.000000e+00> : vector<256x128xf32>
    %dot_general3A_514 = tpu.matmul %cos3A_510, %slice3A_21, %dot_general3A_513 {dimension_numbers = #tpu.dot_dimension_numbers<[1], [0], [0], [1], [0, 0, 1, 1], [], []>, transpose_lhs_hint = false} : vector<256x128xf32>, vector<128x128xf32>, vector<256x128xf32> -> vector<256x128xf32>
    %add3A_515 = arith.addf %squeeze3A_512, %dot_general3A_514 : vector<256x128xf32>
    %max3A_516 = arith.constant 0.000000e+00 : f32
    %max3A_517 = vector.broadcast %max3A_516 : f32 to vector<256x128xf32>
    %max3A_518 = arith.maximumf %add3A_515, %max3A_517 : vector<256x128xf32>
    %slice3A_519 = vector.extract_strided_slice %get3A_33 {offsets = [0, 23], sizes = [256, 1], strides = [1, 1]} : vector<256x32xf32> to vector<256x1xf32>
    %mul3A_520 = arith.mulf %slice3A_519, %select_n3A_45 : vector<256x1xf32>
    %mul3A_521 = vector.broadcast %mul3A_520 : vector<256x1xf32> to vector<256x128xf32>
    %mul3A_522 = arith.mulf %max3A_518, %mul3A_521 : vector<256x128xf32>
    %add3A_523 = arith.addf %add3A_503, %mul3A_522 : vector<256x128xf32>
    %slice3A_524 = vector.extract_strided_slice %get3A_30 {offsets = [0, 24], sizes = [256, 1], strides = [1, 1]} : vector<256x32xf32> to vector<256x1xf32>
    %mul3A_525 = vector.broadcast %slice3A_524 : vector<256x1xf32> to vector<256x128xf32>
    %mul3A_526 = vector.broadcast %get3A_24 : vector<1x128xf32> to vector<256x128xf32>
    %mul3A_527 = arith.mulf %mul3A_525, %mul3A_526 : vector<256x128xf32>
    %add3A_528 = vector.broadcast %get3A_27 : vector<1x128xf32> to vector<256x128xf32>
    %add3A_529 = arith.addf %mul3A_527, %add3A_528 : vector<256x128xf32>
    %cos3A_530 = math.cos %add3A_529 : vector<256x128xf32>
    %slice3A_531 = vector.extract_strided_slice %reshape3A_20 {offsets = [24, 0, 0], sizes = [1, 256, 128], strides = [1, 1, 1]} : vector<32x256x128xf32> to vector<1x256x128xf32>
    %squeeze3A_532 = vector.shape_cast %slice3A_531 : vector<1x256x128xf32> to vector<256x128xf32>
    %dot_general3A_533 = arith.constant dense<0.000000e+00> : vector<256x128xf32>
    %dot_general3A_534 = tpu.matmul %cos3A_530, %slice3A_21, %dot_general3A_533 {dimension_numbers = #tpu.dot_dimension_numbers<[1], [0], [0], [1], [0, 0, 1, 1], [], []>, transpose_lhs_hint = false} : vector<256x128xf32>, vector<128x128xf32>, vector<256x128xf32> -> vector<256x128xf32>
    %add3A_535 = arith.addf %squeeze3A_532, %dot_general3A_534 : vector<256x128xf32>
    %max3A_536 = arith.constant 0.000000e+00 : f32
    %max3A_537 = vector.broadcast %max3A_536 : f32 to vector<256x128xf32>
    %max3A_538 = arith.maximumf %add3A_535, %max3A_537 : vector<256x128xf32>
    %slice3A_539 = vector.extract_strided_slice %get3A_33 {offsets = [0, 24], sizes = [256, 1], strides = [1, 1]} : vector<256x32xf32> to vector<256x1xf32>
    %mul3A_540 = arith.mulf %slice3A_539, %select_n3A_45 : vector<256x1xf32>
    %mul3A_541 = vector.broadcast %mul3A_540 : vector<256x1xf32> to vector<256x128xf32>
    %mul3A_542 = arith.mulf %max3A_538, %mul3A_541 : vector<256x128xf32>
    %add3A_543 = arith.addf %add3A_523, %mul3A_542 : vector<256x128xf32>
    %slice3A_544 = vector.extract_strided_slice %get3A_30 {offsets = [0, 25], sizes = [256, 1], strides = [1, 1]} : vector<256x32xf32> to vector<256x1xf32>
    %mul3A_545 = vector.broadcast %slice3A_544 : vector<256x1xf32> to vector<256x128xf32>
    %mul3A_546 = vector.broadcast %get3A_24 : vector<1x128xf32> to vector<256x128xf32>
    %mul3A_547 = arith.mulf %mul3A_545, %mul3A_546 : vector<256x128xf32>
    %add3A_548 = vector.broadcast %get3A_27 : vector<1x128xf32> to vector<256x128xf32>
    %add3A_549 = arith.addf %mul3A_547, %add3A_548 : vector<256x128xf32>
    %cos3A_550 = math.cos %add3A_549 : vector<256x128xf32>
    %slice3A_551 = vector.extract_strided_slice %reshape3A_20 {offsets = [25, 0, 0], sizes = [1, 256, 128], strides = [1, 1, 1]} : vector<32x256x128xf32> to vector<1x256x128xf32>
    %squeeze3A_552 = vector.shape_cast %slice3A_551 : vector<1x256x128xf32> to vector<256x128xf32>
    %dot_general3A_553 = arith.constant dense<0.000000e+00> : vector<256x128xf32>
    %dot_general3A_554 = tpu.matmul %cos3A_550, %slice3A_21, %dot_general3A_553 {dimension_numbers = #tpu.dot_dimension_numbers<[1], [0], [0], [1], [0, 0, 1, 1], [], []>, transpose_lhs_hint = false} : vector<256x128xf32>, vector<128x128xf32>, vector<256x128xf32> -> vector<256x128xf32>
    %add3A_555 = arith.addf %squeeze3A_552, %dot_general3A_554 : vector<256x128xf32>
    %max3A_556 = arith.constant 0.000000e+00 : f32
    %max3A_557 = vector.broadcast %max3A_556 : f32 to vector<256x128xf32>
    %max3A_558 = arith.maximumf %add3A_555, %max3A_557 : vector<256x128xf32>
    %slice3A_559 = vector.extract_strided_slice %get3A_33 {offsets = [0, 25], sizes = [256, 1], strides = [1, 1]} : vector<256x32xf32> to vector<256x1xf32>
    %mul3A_560 = arith.mulf %slice3A_559, %select_n3A_45 : vector<256x1xf32>
    %mul3A_561 = vector.broadcast %mul3A_560 : vector<256x1xf32> to vector<256x128xf32>
    %mul3A_562 = arith.mulf %max3A_558, %mul3A_561 : vector<256x128xf32>
    %add3A_563 = arith.addf %add3A_543, %mul3A_562 : vector<256x128xf32>
    %slice3A_564 = vector.extract_strided_slice %get3A_30 {offsets = [0, 26], sizes = [256, 1], strides = [1, 1]} : vector<256x32xf32> to vector<256x1xf32>
    %mul3A_565 = vector.broadcast %slice3A_564 : vector<256x1xf32> to vector<256x128xf32>
    %mul3A_566 = vector.broadcast %get3A_24 : vector<1x128xf32> to vector<256x128xf32>
    %mul3A_567 = arith.mulf %mul3A_565, %mul3A_566 : vector<256x128xf32>
    %add3A_568 = vector.broadcast %get3A_27 : vector<1x128xf32> to vector<256x128xf32>
    %add3A_569 = arith.addf %mul3A_567, %add3A_568 : vector<256x128xf32>
    %cos3A_570 = math.cos %add3A_569 : vector<256x128xf32>
    %slice3A_571 = vector.extract_strided_slice %reshape3A_20 {offsets = [26, 0, 0], sizes = [1, 256, 128], strides = [1, 1, 1]} : vector<32x256x128xf32> to vector<1x256x128xf32>
    %squeeze3A_572 = vector.shape_cast %slice3A_571 : vector<1x256x128xf32> to vector<256x128xf32>
    %dot_general3A_573 = arith.constant dense<0.000000e+00> : vector<256x128xf32>
    %dot_general3A_574 = tpu.matmul %cos3A_570, %slice3A_21, %dot_general3A_573 {dimension_numbers = #tpu.dot_dimension_numbers<[1], [0], [0], [1], [0, 0, 1, 1], [], []>, transpose_lhs_hint = false} : vector<256x128xf32>, vector<128x128xf32>, vector<256x128xf32> -> vector<256x128xf32>
    %add3A_575 = arith.addf %squeeze3A_572, %dot_general3A_574 : vector<256x128xf32>
    %max3A_576 = arith.constant 0.000000e+00 : f32
    %max3A_577 = vector.broadcast %max3A_576 : f32 to vector<256x128xf32>
    %max3A_578 = arith.maximumf %add3A_575, %max3A_577 : vector<256x128xf32>
    %slice3A_579 = vector.extract_strided_slice %get3A_33 {offsets = [0, 26], sizes = [256, 1], strides = [1, 1]} : vector<256x32xf32> to vector<256x1xf32>
    %mul3A_580 = arith.mulf %slice3A_579, %select_n3A_45 : vector<256x1xf32>
    %mul3A_581 = vector.broadcast %mul3A_580 : vector<256x1xf32> to vector<256x128xf32>
    %mul3A_582 = arith.mulf %max3A_578, %mul3A_581 : vector<256x128xf32>
    %add3A_583 = arith.addf %add3A_563, %mul3A_582 : vector<256x128xf32>
    %slice3A_584 = vector.extract_strided_slice %get3A_30 {offsets = [0, 27], sizes = [256, 1], strides = [1, 1]} : vector<256x32xf32> to vector<256x1xf32>
    %mul3A_585 = vector.broadcast %slice3A_584 : vector<256x1xf32> to vector<256x128xf32>
    %mul3A_586 = vector.broadcast %get3A_24 : vector<1x128xf32> to vector<256x128xf32>
    %mul3A_587 = arith.mulf %mul3A_585, %mul3A_586 : vector<256x128xf32>
    %add3A_588 = vector.broadcast %get3A_27 : vector<1x128xf32> to vector<256x128xf32>
    %add3A_589 = arith.addf %mul3A_587, %add3A_588 : vector<256x128xf32>
    %cos3A_590 = math.cos %add3A_589 : vector<256x128xf32>
    %slice3A_591 = vector.extract_strided_slice %reshape3A_20 {offsets = [27, 0, 0], sizes = [1, 256, 128], strides = [1, 1, 1]} : vector<32x256x128xf32> to vector<1x256x128xf32>
    %squeeze3A_592 = vector.shape_cast %slice3A_591 : vector<1x256x128xf32> to vector<256x128xf32>
    %dot_general3A_593 = arith.constant dense<0.000000e+00> : vector<256x128xf32>
    %dot_general3A_594 = tpu.matmul %cos3A_590, %slice3A_21, %dot_general3A_593 {dimension_numbers = #tpu.dot_dimension_numbers<[1], [0], [0], [1], [0, 0, 1, 1], [], []>, transpose_lhs_hint = false} : vector<256x128xf32>, vector<128x128xf32>, vector<256x128xf32> -> vector<256x128xf32>
    %add3A_595 = arith.addf %squeeze3A_592, %dot_general3A_594 : vector<256x128xf32>
    %max3A_596 = arith.constant 0.000000e+00 : f32
    %max3A_597 = vector.broadcast %max3A_596 : f32 to vector<256x128xf32>
    %max3A_598 = arith.maximumf %add3A_595, %max3A_597 : vector<256x128xf32>
    %slice3A_599 = vector.extract_strided_slice %get3A_33 {offsets = [0, 27], sizes = [256, 1], strides = [1, 1]} : vector<256x32xf32> to vector<256x1xf32>
    %mul3A_600 = arith.mulf %slice3A_599, %select_n3A_45 : vector<256x1xf32>
    %mul3A_601 = vector.broadcast %mul3A_600 : vector<256x1xf32> to vector<256x128xf32>
    %mul3A_602 = arith.mulf %max3A_598, %mul3A_601 : vector<256x128xf32>
    %add3A_603 = arith.addf %add3A_583, %mul3A_602 : vector<256x128xf32>
    %slice3A_604 = vector.extract_strided_slice %get3A_30 {offsets = [0, 28], sizes = [256, 1], strides = [1, 1]} : vector<256x32xf32> to vector<256x1xf32>
    %mul3A_605 = vector.broadcast %slice3A_604 : vector<256x1xf32> to vector<256x128xf32>
    %mul3A_606 = vector.broadcast %get3A_24 : vector<1x128xf32> to vector<256x128xf32>
    %mul3A_607 = arith.mulf %mul3A_605, %mul3A_606 : vector<256x128xf32>
    %add3A_608 = vector.broadcast %get3A_27 : vector<1x128xf32> to vector<256x128xf32>
    %add3A_609 = arith.addf %mul3A_607, %add3A_608 : vector<256x128xf32>
    %cos3A_610 = math.cos %add3A_609 : vector<256x128xf32>
    %slice3A_611 = vector.extract_strided_slice %reshape3A_20 {offsets = [28, 0, 0], sizes = [1, 256, 128], strides = [1, 1, 1]} : vector<32x256x128xf32> to vector<1x256x128xf32>
    %squeeze3A_612 = vector.shape_cast %slice3A_611 : vector<1x256x128xf32> to vector<256x128xf32>
    %dot_general3A_613 = arith.constant dense<0.000000e+00> : vector<256x128xf32>
    %dot_general3A_614 = tpu.matmul %cos3A_610, %slice3A_21, %dot_general3A_613 {dimension_numbers = #tpu.dot_dimension_numbers<[1], [0], [0], [1], [0, 0, 1, 1], [], []>, transpose_lhs_hint = false} : vector<256x128xf32>, vector<128x128xf32>, vector<256x128xf32> -> vector<256x128xf32>
    %add3A_615 = arith.addf %squeeze3A_612, %dot_general3A_614 : vector<256x128xf32>
    %max3A_616 = arith.constant 0.000000e+00 : f32
    %max3A_617 = vector.broadcast %max3A_616 : f32 to vector<256x128xf32>
    %max3A_618 = arith.maximumf %add3A_615, %max3A_617 : vector<256x128xf32>
    %slice3A_619 = vector.extract_strided_slice %get3A_33 {offsets = [0, 28], sizes = [256, 1], strides = [1, 1]} : vector<256x32xf32> to vector<256x1xf32>
    %mul3A_620 = arith.mulf %slice3A_619, %select_n3A_45 : vector<256x1xf32>
    %mul3A_621 = vector.broadcast %mul3A_620 : vector<256x1xf32> to vector<256x128xf32>
    %mul3A_622 = arith.mulf %max3A_618, %mul3A_621 : vector<256x128xf32>
    %add3A_623 = arith.addf %add3A_603, %mul3A_622 : vector<256x128xf32>
    %slice3A_624 = vector.extract_strided_slice %get3A_30 {offsets = [0, 29], sizes = [256, 1], strides = [1, 1]} : vector<256x32xf32> to vector<256x1xf32>
    %mul3A_625 = vector.broadcast %slice3A_624 : vector<256x1xf32> to vector<256x128xf32>
    %mul3A_626 = vector.broadcast %get3A_24 : vector<1x128xf32> to vector<256x128xf32>
    %mul3A_627 = arith.mulf %mul3A_625, %mul3A_626 : vector<256x128xf32>
    %add3A_628 = vector.broadcast %get3A_27 : vector<1x128xf32> to vector<256x128xf32>
    %add3A_629 = arith.addf %mul3A_627, %add3A_628 : vector<256x128xf32>
    %cos3A_630 = math.cos %add3A_629 : vector<256x128xf32>
    %slice3A_631 = vector.extract_strided_slice %reshape3A_20 {offsets = [29, 0, 0], sizes = [1, 256, 128], strides = [1, 1, 1]} : vector<32x256x128xf32> to vector<1x256x128xf32>
    %squeeze3A_632 = vector.shape_cast %slice3A_631 : vector<1x256x128xf32> to vector<256x128xf32>
    %dot_general3A_633 = arith.constant dense<0.000000e+00> : vector<256x128xf32>
    %dot_general3A_634 = tpu.matmul %cos3A_630, %slice3A_21, %dot_general3A_633 {dimension_numbers = #tpu.dot_dimension_numbers<[1], [0], [0], [1], [0, 0, 1, 1], [], []>, transpose_lhs_hint = false} : vector<256x128xf32>, vector<128x128xf32>, vector<256x128xf32> -> vector<256x128xf32>
    %add3A_635 = arith.addf %squeeze3A_632, %dot_general3A_634 : vector<256x128xf32>
    %max3A_636 = arith.constant 0.000000e+00 : f32
    %max3A_637 = vector.broadcast %max3A_636 : f32 to vector<256x128xf32>
    %max3A_638 = arith.maximumf %add3A_635, %max3A_637 : vector<256x128xf32>
    %slice3A_639 = vector.extract_strided_slice %get3A_33 {offsets = [0, 29], sizes = [256, 1], strides = [1, 1]} : vector<256x32xf32> to vector<256x1xf32>
    %mul3A_640 = arith.mulf %slice3A_639, %select_n3A_45 : vector<256x1xf32>
    %mul3A_641 = vector.broadcast %mul3A_640 : vector<256x1xf32> to vector<256x128xf32>
    %mul3A_642 = arith.mulf %max3A_638, %mul3A_641 : vector<256x128xf32>
    %add3A_643 = arith.addf %add3A_623, %mul3A_642 : vector<256x128xf32>
    %slice3A_644 = vector.extract_strided_slice %get3A_30 {offsets = [0, 30], sizes = [256, 1], strides = [1, 1]} : vector<256x32xf32> to vector<256x1xf32>
    %mul3A_645 = vector.broadcast %slice3A_644 : vector<256x1xf32> to vector<256x128xf32>
    %mul3A_646 = vector.broadcast %get3A_24 : vector<1x128xf32> to vector<256x128xf32>
    %mul3A_647 = arith.mulf %mul3A_645, %mul3A_646 : vector<256x128xf32>
    %add3A_648 = vector.broadcast %get3A_27 : vector<1x128xf32> to vector<256x128xf32>
    %add3A_649 = arith.addf %mul3A_647, %add3A_648 : vector<256x128xf32>
    %cos3A_650 = math.cos %add3A_649 : vector<256x128xf32>
    %slice3A_651 = vector.extract_strided_slice %reshape3A_20 {offsets = [30, 0, 0], sizes = [1, 256, 128], strides = [1, 1, 1]} : vector<32x256x128xf32> to vector<1x256x128xf32>
    %squeeze3A_652 = vector.shape_cast %slice3A_651 : vector<1x256x128xf32> to vector<256x128xf32>
    %dot_general3A_653 = arith.constant dense<0.000000e+00> : vector<256x128xf32>
    %dot_general3A_654 = tpu.matmul %cos3A_650, %slice3A_21, %dot_general3A_653 {dimension_numbers = #tpu.dot_dimension_numbers<[1], [0], [0], [1], [0, 0, 1, 1], [], []>, transpose_lhs_hint = false} : vector<256x128xf32>, vector<128x128xf32>, vector<256x128xf32> -> vector<256x128xf32>
    %add3A_655 = arith.addf %squeeze3A_652, %dot_general3A_654 : vector<256x128xf32>
    %max3A_656 = arith.constant 0.000000e+00 : f32
    %max3A_657 = vector.broadcast %max3A_656 : f32 to vector<256x128xf32>
    %max3A_658 = arith.maximumf %add3A_655, %max3A_657 : vector<256x128xf32>
    %slice3A_659 = vector.extract_strided_slice %get3A_33 {offsets = [0, 30], sizes = [256, 1], strides = [1, 1]} : vector<256x32xf32> to vector<256x1xf32>
    %mul3A_660 = arith.mulf %slice3A_659, %select_n3A_45 : vector<256x1xf32>
    %mul3A_661 = vector.broadcast %mul3A_660 : vector<256x1xf32> to vector<256x128xf32>
    %mul3A_662 = arith.mulf %max3A_658, %mul3A_661 : vector<256x128xf32>
    %add3A_663 = arith.addf %add3A_643, %mul3A_662 : vector<256x128xf32>
    %slice3A_664 = vector.extract_strided_slice %get3A_30 {offsets = [0, 31], sizes = [256, 1], strides = [1, 1]} : vector<256x32xf32> to vector<256x1xf32>
    %mul3A_665 = vector.broadcast %slice3A_664 : vector<256x1xf32> to vector<256x128xf32>
    %mul3A_666 = vector.broadcast %get3A_24 : vector<1x128xf32> to vector<256x128xf32>
    %mul3A_667 = arith.mulf %mul3A_665, %mul3A_666 : vector<256x128xf32>
    %add3A_668 = vector.broadcast %get3A_27 : vector<1x128xf32> to vector<256x128xf32>
    %add3A_669 = arith.addf %mul3A_667, %add3A_668 : vector<256x128xf32>
    %cos3A_670 = math.cos %add3A_669 : vector<256x128xf32>
    %slice3A_671 = vector.extract_strided_slice %reshape3A_20 {offsets = [31, 0, 0], sizes = [1, 256, 128], strides = [1, 1, 1]} : vector<32x256x128xf32> to vector<1x256x128xf32>
    %squeeze3A_672 = vector.shape_cast %slice3A_671 : vector<1x256x128xf32> to vector<256x128xf32>
    %dot_general3A_673 = arith.constant dense<0.000000e+00> : vector<256x128xf32>
    %dot_general3A_674 = tpu.matmul %cos3A_670, %slice3A_21, %dot_general3A_673 {dimension_numbers = #tpu.dot_dimension_numbers<[1], [0], [0], [1], [0, 0, 1, 1], [], []>, transpose_lhs_hint = false} : vector<256x128xf32>, vector<128x128xf32>, vector<256x128xf32> -> vector<256x128xf32>
    %add3A_675 = arith.addf %squeeze3A_672, %dot_general3A_674 : vector<256x128xf32>
    %max3A_676 = arith.constant 0.000000e+00 : f32
    %max3A_677 = vector.broadcast %max3A_676 : f32 to vector<256x128xf32>
    %max3A_678 = arith.maximumf %add3A_675, %max3A_677 : vector<256x128xf32>
    %slice3A_679 = vector.extract_strided_slice %get3A_33 {offsets = [0, 31], sizes = [256, 1], strides = [1, 1]} : vector<256x32xf32> to vector<256x1xf32>
    %mul3A_680 = arith.mulf %slice3A_679, %select_n3A_45 : vector<256x1xf32>
    %mul3A_681 = vector.broadcast %mul3A_680 : vector<256x1xf32> to vector<256x128xf32>
    %mul3A_682 = arith.mulf %max3A_678, %mul3A_681 : vector<256x128xf32>
    %add3A_683 = arith.addf %add3A_663, %mul3A_682 : vector<256x128xf32>
    %get3A_684 = arith.constant 0 : index
    %get3A_685 = arith.constant 0 : index
    %get3A_686 = vector.load %arg12[%get3A_684, %get3A_685] : memref<256x128xf32, #tpu.memory_space<vmem>>, vector<256x128xf32>
    %get3A_687 = arith.constant 0 : index
    %get3A_688 = arith.constant 0 : index
    %get3A_689 = vector.load %arg6[%get3A_687, %get3A_688] : memref<256x128xf32, #tpu.memory_space<vmem>>, vector<256x128xf32>
    %slice3A_690 = vector.extract_strided_slice %get3A_686 {offsets = [0, 0], sizes = [128, 128], strides = [1, 1]} : vector<256x128xf32> to vector<128x128xf32>
    %dot_general3A_691 = arith.constant dense<0.000000e+00> : vector<256x128xf32>
    %dot_general3A_692 = tpu.matmul %get3A_689, %slice3A_690, %dot_general3A_691 {dimension_numbers = #tpu.dot_dimension_numbers<[1], [0], [0], [1], [0, 0, 1, 1], [], []>, transpose_lhs_hint = false} : vector<256x128xf32>, vector<128x128xf32>, vector<256x128xf32> -> vector<256x128xf32>
    %slice3A_693 = vector.extract_strided_slice %get3A_686 {offsets = [128, 0], sizes = [128, 128], strides = [1, 1]} : vector<256x128xf32> to vector<128x128xf32>
    %dot_general3A_694 = arith.constant dense<0.000000e+00> : vector<256x128xf32>
    %dot_general3A_695 = tpu.matmul %add3A_683, %slice3A_693, %dot_general3A_694 {dimension_numbers = #tpu.dot_dimension_numbers<[1], [0], [0], [1], [0, 0, 1, 1], [], []>, transpose_lhs_hint = false} : vector<256x128xf32>, vector<128x128xf32>, vector<256x128xf32> -> vector<256x128xf32>
    %add3A_696 = arith.addf %dot_general3A_692, %dot_general3A_695 : vector<256x128xf32>
    %get3A_697 = arith.constant 0 : index
    %get3A_698 = arith.constant 0 : index
    %get3A_699 = vector.load %arg13[%get3A_697, %get3A_698] : memref<1x128xf32, #tpu.memory_space<vmem>>, vector<1x128xf32>
    %add3A_700 = vector.broadcast %get3A_699 : vector<1x128xf32> to vector<256x128xf32>
    %add3A_701 = arith.addf %add3A_696, %add3A_700 : vector<256x128xf32>
    %max3A_702 = arith.constant 0.000000e+00 : f32
    %max3A_703 = vector.broadcast %max3A_702 : f32 to vector<256x128xf32>
    %max3A_704 = arith.maximumf %add3A_701, %max3A_703 : vector<256x128xf32>
    %swap3A = arith.constant 0 : index
    %swap3A_705 = arith.constant 0 : index
    %swap3A_706 = vector.load %arg14[%swap3A, %swap3A_705] : memref<256x128xf32, #tpu.memory_space<vmem>>, vector<256x128xf32>
    tpu.vector_store %arg14[%swap3A, %swap3A_705], %max3A_704 {strides = array<i32>} : memref<256x128xf32, #tpu.memory_space<vmem>>, vector<256x128xf32>,
    %get3A_707 = arith.constant 0 : index
    %get3A_708 = arith.constant 0 : index
    %get3A_709 = vector.load %arg1[%get3A_707, %get3A_708] : memref<1x4096xi32, #tpu.memory_space<vmem>>, vector<1x4096xi32>
    %reshape3A_710 = vector.shape_cast %get3A_709 : vector<1x4096xi32> to vector<4096x1xi32>
    %get3A_711 = arith.constant 0 : index
    %get3A_712 = arith.constant 0 : index
    %get3A_713 = vector.load %arg7[%get3A_711, %get3A_712] : memref<1x256xi32, #tpu.memory_space<vmem>>, vector<1x256xi32>
    %eq3A_714 = vector.broadcast %reshape3A_710 : vector<4096x1xi32> to vector<4096x256xi32>
    %eq3A_715 = vector.broadcast %get3A_713 : vector<1x256xi32> to vector<4096x256xi32>
    %eq3A_716 = arith.cmpi eq, %eq3A_714, %eq3A_715 : vector<4096x256xi32>
    %iota3A = tpu.iota {dimensions = array<i32: 0>} : vector<4096x256xi32>
    %jit3A_717 = arith.constant -1 : i32
    %broadcast_in_dim3A_718 = vector.broadcast %jit3A_717 : i32 to vector<4096x256xi32>
    %select_n3A_719 = arith.select %eq3A_716, %iota3A, %broadcast_in_dim3A_718 : vector<4096x256xi1>, vector<4096x256xi32>
    %reduce_max3A = arith.constant dense<-2147483648> : vector<256xi32>
    %reduce_max3A_720 = vector.multi_reduction <maxsi>, %select_n3A_719, %reduce_max3A [0] : vector<4096x256xi32> to vector<256xi32>
    %broadcast_in_dim3A_721 = vector.shape_cast %reduce_max3A_720 : vector<256xi32> to vector<1x256xi32>
    %swap3A_722 = arith.constant 0 : index
    %swap3A_723 = arith.constant 0 : index
    %swap3A_724 = vector.load %arg15[%swap3A_722, %swap3A_723] : memref<1x256xi32, #tpu.memory_space<vmem>>, vector<1x256xi32>
    tpu.vector_store %arg15[%swap3A_722, %swap3A_723], %broadcast_in_dim3A_721 {strides = array<i32>} : memref<1x256xi32, #tpu.memory_space<vmem>>, vector<1x256xi32>,
    return
  }
  func.func @transform_0(%arg0: i32) -> (i32, i32) {
    %c0_i32 = arith.constant 0 : i32
    %c0_i32_0 = arith.constant 0 : i32
    %c0_i32_1 = arith.constant 0 : i32
    return %c0_i32, %c0_i32_0 : i32, i32
  }
  func.func @transform_1(%arg0: i32) -> (i32, i32, i32) {
    %c0_i32 = arith.constant 0 : i32
    %c0_i32_0 = arith.constant 0 : i32
    %c0_i32_1 = arith.constant 0 : i32
    return %c0_i32, %arg0, %c0_i32_0 : i32, i32, i32
  }
  func.func @transform_2(%arg0: i32) -> (i32, i32, i32) {
    %c0_i32 = arith.constant 0 : i32
    %c0_i32_0 = arith.constant 0 : i32
    %c0_i32_1 = arith.constant 0 : i32
    return %c0_i32, %arg0, %c0_i32_0 : i32, i32, i32
  }
  func.func @transform_3(%arg0: i32) -> (i32, i32) {
    %c0_i32 = arith.constant 0 : i32
    %c0_i32_0 = arith.constant 0 : i32
    return %arg0, %c0_i32 : i32, i32
  }
  func.func @transform_4(%arg0: i32) -> (i32, i32) {
    %c0_i32 = arith.constant 0 : i32
    %c0_i32_0 = arith.constant 0 : i32
    return %arg0, %c0_i32 : i32, i32
  }
  func.func @transform_5(%arg0: i32) -> (i32, i32) {
    %c0_i32 = arith.constant 0 : i32
    %c0_i32_0 = arith.constant 0 : i32
    return %arg0, %c0_i32 : i32, i32
  }
  func.func @transform_6(%arg0: i32) -> (i32, i32) {
    %c0_i32 = arith.constant 0 : i32
    %c0_i32_0 = arith.constant 0 : i32
    return %c0_i32, %arg0 : i32, i32
  }
  func.func @transform_7(%arg0: i32) -> (i32, i32) {
    %c0_i32 = arith.constant 0 : i32
    %c0_i32_0 = arith.constant 0 : i32
    %c0_i32_1 = arith.constant 0 : i32
    return %c0_i32, %c0_i32_0 : i32, i32
  }
  func.func @transform_8(%arg0: i32) -> (i32, i32) {
    %c0_i32 = arith.constant 0 : i32
    %c0_i32_0 = arith.constant 0 : i32
    %c0_i32_1 = arith.constant 0 : i32
    return %c0_i32, %c0_i32_0 : i32, i32
  }
  func.func @transform_9(%arg0: i32) -> (i32, i32) {
    %c0_i32 = arith.constant 0 : i32
    %c0_i32_0 = arith.constant 0 : i32
    %c0_i32_1 = arith.constant 0 : i32
    return %c0_i32, %c0_i32_0 : i32, i32
  }
  func.func @transform_10(%arg0: i32) -> (i32, i32) {
    %c0_i32 = arith.constant 0 : i32
    %c0_i32_0 = arith.constant 0 : i32
    %c0_i32_1 = arith.constant 0 : i32
    return %c0_i32, %c0_i32_0 : i32, i32
  }
  func.func @transform_11(%arg0: i32) -> (i32, i32) {
    %c0_i32 = arith.constant 0 : i32
    %c0_i32_0 = arith.constant 0 : i32
    %c0_i32_1 = arith.constant 0 : i32
    return %c0_i32, %c0_i32_0 : i32, i32
  }
  func.func @transform_12(%arg0: i32) -> (i32, i32) {
    %c0_i32 = arith.constant 0 : i32
    %c0_i32_0 = arith.constant 0 : i32
    %c0_i32_1 = arith.constant 0 : i32
    return %c0_i32, %c0_i32_0 : i32, i32
  }
  func.func @transform_13(%arg0: i32) -> (i32, i32) {
    %c0_i32 = arith.constant 0 : i32
    %c0_i32_0 = arith.constant 0 : i32
    return %arg0, %c0_i32 : i32, i32
  }
  func.func @transform_14(%arg0: i32) -> (i32, i32) {
    %c0_i32 = arith.constant 0 : i32
    %c0_i32_0 = arith.constant 0 : i32
    return %c0_i32, %arg0 : i32, i32
  }
}

</mosaic_0001>

<sc_bundles>
// kernel: kernel.11.cloned.1.call-start
scs
__scs_entry_jumppad:
0x0: {  	(pc) =	sbr.rel $0x88, $3  }
0x1: {  	(tag) =	ssettag $0x0;
	lr =	simm.s32 $0x1  }
0x2: {  	[smem:$0x3F94] =	sst lr;
	_ =	strace $0xD0000000  }
0x3: {  	_ = 	snop  }
0x4: {  	_ = 	snop  }
0x5: {  	_ = 	snop  }
0x6: {  	_ = 	snop  }
0x7: {  	_ = 	snop  }
__scs_overlays_trampoline_lowered:
0x8: {  	[smem:$0x3FA3] =	sst s0  }
0x9: {  	[smem:$0x3FA4] =	sst s1  }
0xa: {  	[smem:$0x3FA5] =	sst s2  }
0xb: {  	[smem:$0x3FA6] =	sst s3  }
0xc: {  	[smem:$0x3FA7] =	sst s4  }
0xd: {  	[smem:$0x3FA8] =	sst s5  }
0xe: {  	[smem:$0x3FA9] =	sst s6  }
0xf: {  	[smem:$0x3FAA] =	sst s7  }
0x10: {  	[smem:$0x3FAB] =	sst s8  }
0x11: {  	[smem:$0x3FAC] =	sst s9;
	s0 =	simm.s32 @!p0 $0x0  }
0x12: {  	s1 =	sld [smem:$0x3F92];
	s0 =	simm.s32 @p0 $0x1  }
0x13: {  	[smem:$0x3FAD] =	sst s0;
	s0 =	simm.s32 @!p1 $0x0  }
0x14: {  	s2 =	sld [smem:$0x3F91];
	s0 =	simm.s32 @p1 $0x1  }
0x15: {  	[smem:$0x3FAE] =	sst s0;
	s0 =	simm.s32 @!p2 $0x0  }
0x16: {  	s3 =	sld [smem:$0x3FDB];
	s0 =	simm.s32 @p2 $0x1  }
0x17: {  	s4 =	simm.s32 $0x1BF5;
	[smem:$0x3FB0] =	sst s0  }
0x18: {  	s0 =	sld [smem:$0x3F93];
	_ =	swait.ge [sflag:s4], $0x0  }
0x19: {  	s7 =	sld [smem:$0x3F94]  }
0x1a: {  	s8 =	sadd.s32 $0xFFFFE003, lr  }
0x1b: {  	s9 =	sadd.s32 $0xFFFFFEF7, lr;
	s5 =	simm.s32 $0xFFFFFFFF;
	p2 =	slt.u32 s8, $0xFFFFF086  }
0x1c: {  	p1 =	slt.u32 s9, $0xF7A;
	s5 =	simm.s32 @!p2 $0x0  }
0x1d: {  	s5 =	simm.s32 @p1 $0x1;
	p0 =	seq.s32 s7, s2  }
0x1e: {  	s7 =	smul.u32 @!p0 $0xF7A, s2;
	p2 =	seq.s32 @!p0 s5, $0x0  }
0x1f: {  	s9 =	smul.u32 $0xF7A, s1;
	s8 =	simm.s32 @!p0 $0x1BF5;
	p2 =	por !p2, p0  }
0x20: {  	[sflag:s8] =	ssyncset.s32 @!p0 $0xFFFFF086;
	s6 =	sadd.s32 @!p0 s3, s7;
	s7 =	simm.s32 @!p0 $0x108  }
0x21: {  	s3 =	sadd.s32 s3, s9;
	s6 =	sadd.s32 @!p0 $0x88, s6;
	s7 =	simm.s32 @p2 $0x1082  }
0x22: {  	[simem:s7], [sflag:s8] =	dma.local @!p0 [hbm:s6], $0xF7A  }
0x23: {  	s9 =	sor.u32 $0xD0000000, s2;
	s6 =	simm.s32 $0x108;
	_ =	swait.ge @!p0 [sflag:s8], $0x0  }
0x24: {  	s3 =	sadd.s32 $0x88, s3;
	s6 =	simm.s32 @!p1 $0x1082;
	[sflag:s4] =	ssyncset.s32 $0xFFFFF086  }
0x25: {  	[simem:s6], [sflag:s4] =	dma.local [hbm:s3], $0xF7A  }
0x26: {  	[smem:$0x3F94] =	sst s1;
	(tag) =	ssettag s2;
	_ =	strace s9  }
0x27: {  	s1 =	sld [smem:$0x3FA4]  }
0x28: {  	s2 =	sld [smem:$0x3FA5]  }
0x29: {  	s4 =	sld [smem:$0x3FA7]  }
0x2a: {  	p0 =	seq.s32 s5, $0x0;
	s5 =	sld [smem:$0x3FA8]  }
0x2b: {  	s6 =	sld [smem:$0x3FA9]  }
0x2c: {  	s7 =	sld [smem:$0x3FAA]  }
0x2d: {  	s3 =	simm.s32 $0x108;
	s8 =	sld [smem:$0x3FAB]  }
0x2e: {  	s3 =	simm.s32 @!p0 $0x1082;
	s9 =	sld [smem:$0x3FAC]  }
0x2f: {  	lr =	sadd.s32 s0, s3;
	s0 =	sld [smem:$0x3FA3]  }
0x30: {  	s3 =	sld [smem:$0x3FA6]  }
0x31: {  	[smem:$0x3FAF] =	sst s10  }
0x32: {  	s10 =	sld [smem:$0x3FAD];
	_ =	sdelay $0x3  }
0x33: {  	p0 =	seq.s32 s10, $0x1;
	s10 =	sld [smem:$0x3FAF];
	_ =	sdelay $0x3  }
0x34: {  	[smem:$0x3FAF] =	sst s10  }
0x35: {  	s10 =	sld [smem:$0x3FAE];
	_ =	sdelay $0x3  }
0x36: {  	p1 =	seq.s32 s10, $0x1;
	s10 =	sld [smem:$0x3FAF];
	_ =	sdelay $0x3  }
0x37: {  	[smem:$0x3FAF] =	sst s10  }
0x38: {  	s10 =	sld [smem:$0x3FB0]  }
0x39: {  	_ = 	snop;
	(pc) =	sbr.ind lr, $3  }
0x3a: {  	_ = 	snop  }
0x3b: {  	_ = 	snop  }
0x3c: {  	p2 =	seq.s32 s10, $0x1;
	s10 =	sld [smem:$0x3FAF]  }
0x3d: {  	_ =	shalt  }
0x3e: {  	_ =	shalt  }
0x3f: {  	_ =	shalt  }
0x40: {  	_ =	shalt  }
0x41: {  	_ =	shalt  }
0x42: {  	_ =	shalt  }
0x43: {  	_ =	shalt  }
0x44: {  	_ =	shalt  }
0x45: {  	_ =	shalt  }
0x46: {  	_ =	shalt  }
0x47: {  	_ =	shalt  }
0x48: {  	_ =	shalt  }
0x49: {  	_ =	shalt  }
0x4a: {  	_ =	shalt  }
0x4b: {  	_ =	shalt  }
0x4c: {  	_ =	shalt  }
0x4d: {  	_ =	shalt  }
0x4e: {  	_ =	shalt  }
0x4f: {  	_ =	shalt  }
0x50: {  	_ =	shalt  }
0x51: {  	_ =	shalt  }
0x52: {  	_ =	shalt  }
0x53: {  	_ =	shalt  }
0x54: {  	_ =	shalt  }
0x55: {  	_ =	shalt  }
0x56: {  	_ =	shalt  }
0x57: {  	_ =	shalt  }
0x58: {  	_ =	shalt  }
0x59: {  	_ =	shalt  }
0x5a: {  	_ =	shalt  }
0x5b: {  	_ =	shalt  }
0x5c: {  	_ =	shalt  }
0x5d: {  	_ =	shalt  }
0x5e: {  	_ =	shalt  }
0x5f: {  	_ =	shalt  }
0x60: {  	_ =	shalt  }
0x61: {  	_ =	shalt  }
0x62: {  	_ =	shalt  }
0x63: {  	_ =	shalt  }
0x64: {  	_ =	shalt  }
0x65: {  	_ =	shalt  }
0x66: {  	_ =	shalt  }
0x67: {  	_ =	shalt  }
0x68: {  	_ =	shalt  }
0x69: {  	_ =	shalt  }
0x6a: {  	_ =	shalt  }
0x6b: {  	_ =	shalt  }
0x6c: {  	_ =	shalt  }
0x6d: {  	_ =	shalt  }
0x6e: {  	_ =	shalt  }
0x6f: {  	_ =	shalt  }
0x70: {  	_ =	shalt  }
0x71: {  	_ =	shalt  }
0x72: {  	_ =	shalt  }
0x73: {  	_ =	shalt  }
0x74: {  	_ =	shalt  }
0x75: {  	_ =	shalt  }
0x76: {  	_ =	shalt  }
0x77: {  	_ =	shalt  }
0x78: {  	_ =	shalt  }
0x79: {  	_ =	shalt  }
0x7a: {  	_ =	shalt  }
0x7b: {  	_ =	shalt  }
0x7c: {  	_ =	shalt  }
0x7d: {  	_ =	shalt  }
0x7e: {  	_ =	shalt  }
0x7f: {  	_ =	shalt  }
0x80: {  	_ =	shalt  }
0x81: {  	_ =	shalt  }
0x82: {  	_ =	shalt  }
0x83: {  	_ =	shalt  }
0x84: {  	_ =	shalt  }
0x85: {  	_ =	shalt  }
0x86: {  	_ =	shalt  }
0x87: {  	_ =	shalt  }
.Lfunc_end0:
.L_simem_size_0:
called_computation.1_lowered:
.L_overlay_start_0:
0x88: {  	s2 =	sld [smem:$0x3FD9]  }
0x89: {  	s3 =	sld [smem:$0x3FFE];
	_ =	sdelay $0x1  }
0x8a: {  	s1 =	srdreg.scid  }
0x8b: {  	s0 =	sand.u32 $0x1, s1  }
0x8c: {  	s16 =	sshll.u32 s0, $0xA;
	s2 =	sadd.s32 s3, s2  }
0x8d: {  	s2 =	sadd.s32 s2, s16  }
0x8e: {  	[smem:$0x3FBB] =	sst s2  }
0x8f: {  	_ = 	snop  }
0x90: {  	(tm) =	ssettm $0x1  }
0x91: {  	s17 =	sld [smem:$0x3FFB];
	_ =	sdelay $0x3  }
0x92: {  	_ =	strace s17  }
0x93: {  	s2 =	sld [smem:$0x3FFC];
	_ =	sdelay $0x3  }
0x94: {  	_ =	strace s2  }
0x95: {  	s2 =	sld [smem:$0x3FFD];
	_ =	sdelay $0x3  }
0x96: {  	_ =	strace s2  }
0x97: {  	_ =	strace $0x8FFFFFFF  }
0x98: {  	s18 =	sld [smem:$0x3FDB];
	_ =	sdelay $0x1  }
0x99: {  	s19 =	simm.s32 $_scs_section_size  }
0x9a: {  	s4 =	simm.s32 $_size__tile_overlayer_lowered;
	s5 =	simm.s32 $_tile_overlayer_lowered  }
0x9b: {  	s22 =	simm.s32 $0x1BFF;
	s21 =	sshll.u32 s5, $0x1;
	s2 =	sadd.s32 s19, s18  }
0x9c: {  	s6 =	simm.s32 $0x0;
	s20 =	sshll.u32 s4, $0x1;
	s4 =	sadd.s32 s21, s2  }
0x9d: {  	[timem:s6], [sflag:s22] =	dma.local [hbm:s4], s20  }
0x9e: {  	_ =	swait.ge [sflag:s22], s20  }
0x9f: {  	s3 =	ssub.s32 $0x0, s20;
	[sflag:s22] =	ssyncset.done $0x0  }
0xa0: {  	[sflag:s22] =	ssyncadd.s32 s3;
	_ =	sdelay $0x1  }
0xa1: {  	s23 =	simm.s32 $0x1B8B  }
0xa2: {  	_ =	swait.ge [sflag:s23], $0x1  }
0xa3: {  	[sflag:s23] =	ssyncset.done $0x0  }
0xa4: {  	s25 =	simm.s32 $0x1B8E;
	s24 =	sld [smem:$0x3FFE];
	[sflag:s23] =	ssyncadd.s32 $0xFFFFFFFF  }
0xa5: {  	s26 =	simm.s32 $execute0_lowered;
	[smem:$0x3FD2] =	sst s25  }
0xa6: {  	s4 =	sshll.u32 s26, $0x1;
	_ =	strace $0x80000046;
	[dreg:$0x1] =	wrdreg $0xFFFFFFFF  }
0xa7: {  	s28 =	simm.s32 $_size_execute0_lowered;
	s2 =	sadd.s32 s2, s4;
	[dreg:$0x0] =	wrdreg $0x0  }
0xa8: {  	s4 =	sshll.u32 s28, $0x1;
	[dreg:$0x2] =	wrdreg s2  }
0xa9: {  	[dreg:$0x3] =	wrdreg s4  }
0xaa: {  	[dreg:$0x4] =	wrdreg $0xC0  }
0xab: {  	_ =	task [dreg:s6], $0x5FFFF  }
0xac: {  	[dreg:$0x1] =	wrdreg $0xFFFFFFFF  }
0xad: {  	[dreg:$0x0] =	wrdreg $0x60  }
0xae: {  	[dreg:$0x2] =	wrdreg s24  }
0xaf: {  	[dreg:$0x3] =	wrdreg $0xA  }
0xb0: {  	_ =	task.clear_ibuf [dreg:s6], $0x4FFFF;
	_ =	strace $0x90000046  }
0xb1: {  	s29 =	simm.s32 $0xA;
	_ =	strace $0x80000048  }
0xb2: {  	_ =	swait.ge [sflag:s29], $0x1  }
0xb3: {  	[sflag:s29] =	ssyncadd.s32 $0xFFFFFFFF  }
0xb4: {  	_ =	strace $0x90000048  }
0xb5: {  	_ =	sfence  }
0xb6: {  	s30 =	sld [smem:$0x0];
	_ =	sdelay $0x2  }
0xb7: {  	s31 =	sshll.u32 s1, $0xD;
	s1 =	sshrl.u32 s1, $0x2  }
0xb8: {  	s3 =	sand.u32 $0x4000, s31;
	s1 =	sadd.s32 s1, s30  }
0xb9: {  	s0 =	sor.u32 s3, s0;
	s1 =	sshll.u32 s1, $0x11  }
0xba: {  	s0 =	sor.u32 s1, s0  }
0xbb: {  	s0 =	sadd.s32 $0x8F2B, s0  }
0xbc: {  	[sflag:s0] =	ssyncadd.remote.s32 $0x1  }
0xbd: {  	_ =	sfence.sel $0xFFFF  }
0xbe: {  	[dreg:$0x0] =	wrdreg $0xFFFFFFFF;
	(pc) =	sbr.abs _section_cstart, $3  }
0xbf: {  	[dreg:$0x1] =	wrdreg $0xFFFFFFFF  }
0xc0: {  	_ =	task.clear_ibuf [dreg:s6], $0x2FFFF;
	_ =	strace $0x9FFFFFFF  }
0xc1: {  	(tm) =	ssettm $0x7FFFFFFF  }
tec
execute0_lowered:
.L_overlay_start_1:
0x0: {  	(tag) =	ssettag $0x1  }
0x1: {  	s1 =	srdreg.scid  }
0x2: {  	s0 =	stileid.u32;
	s13 =	sand.u32 $0x1, s1  }
0x3: {  	s31 =	sshll.u32 s0, $0xD;
	s2 =	sshll.u32 s13, $0xC  }
0x4: {  	s9 =	rddreg [dreg:$0x0];
	s10 =	sor.u32 s2, s31  }
0x5: {  	s1 =	rddreg [dreg:$0x1];
	s2 =	simm.s32 $0x0;
	s3 =	sshrl.u32 s10, $0x3  }
0x6: {  	[smem:$0x7FF] =	sst s2;
	s3 =	sadd.s32 s3, s9  }
0x7: {  	_ =	strace $0x80000047;
	s4 =	sadd.s32 $0x2C00, s3;
	s3 =	simm.s32 $0x2  }
0x8: {  	[tilespmem:s2], [sflag:$0x2] =	stream.linear.gather [hbm4b:s4+s2], $0x1000, $0x38;
	[tilespmem:$0x5000] =	vst v63  }
0x9: {  	_ =	swait.ge [sflag:s3], $0x1000  }
0xa: {  	s6 =	simm.s32 $0x400;
	s7 =	simm.s32 $0x1000;
	[sflag:s3] =	ssyncset.done $0x0  }
0xb: {  	s8 =	simm.s32 $0x1;
	s5 =	sadd.s32 $0x186CC00, s9;
	[sflag:s3] =	ssyncadd.s32 $0xFFFFF000  }
0xc: {  	[tilespmem:s7], [sflag:$0x1] =	stream.indirect.gather [hbm4b:s5+s6], $0x10, s2, s6, $0xb8;
	[tilespmem:$0x5000] =	vst v63  }
0xd: {  	s10 =	sshll.u32 s10, $0x1;
	_ =	swait.ge [sflag:s8], $0x4000  }
0xe: {  	s14 =	sadd.s32 s10, s9;
	[sflag:s8] =	ssyncset.done $0x0  }
0xf: {  	s9 =	sadd.s32 $0x6C00, s14;
	[sflag:s8] =	ssyncadd.s32 $0xFFFFC000  }
0x10: {  	[hbm4b:s9+s2] =	stream.linear.scatter [tilespmem:s7], [sflag:$0x2], $0x4000, $0x38;
	[tilespmem:$0x5000] =	vst v63  }
0x11: {  	_ =	swait.ge [sflag:s3], $0x4000  }
0x12: {  	[sflag:s3] =	ssyncset.done $0x0  }
0x13: {  	[sflag:s3] =	ssyncadd.s32 $0xFFFFC000  }
0x14: {  	[tilespmem:s7], [sflag:$0x1] =	stream.indirect.gather [hbm4b:s5+s6], $0x10, s6, s6, $0xb8;
	[tilespmem:$0x5000] =	vst v63  }
0x15: {  	_ =	swait.ge [sflag:s8], $0x4000  }
0x16: {  	[sflag:s8] =	ssyncset.done $0x0  }
0x17: {  	s10 =	sadd.s32 $0x7400, s14;
	[sflag:s8] =	ssyncadd.s32 $0xFFFFC000  }
0x18: {  	[hbm4b:s10+s2] =	stream.linear.scatter [tilespmem:s7], [sflag:$0x2], $0x4000, $0x38;
	[tilespmem:$0x5000] =	vst v63  }
0x19: {  	_ =	swait.ge [sflag:s3], $0x4000  }
0x1a: {  	[sflag:s3] =	ssyncset.done $0x0  }
0x1b: {  	s11 =	simm.s32 $0x800;
	[sflag:s3] =	ssyncadd.s32 $0xFFFFC000  }
0x1c: {  	[tilespmem:s7], [sflag:$0x1] =	stream.indirect.gather [hbm4b:s5+s6], $0x10, s11, s6, $0xb8;
	[tilespmem:$0x5000] =	vst v63  }
0x1d: {  	_ =	swait.ge [sflag:s8], $0x4000  }
0x1e: {  	[sflag:s8] =	ssyncset.done $0x0  }
0x1f: {  	s15 =	ssub.s32 $0x2, s13;
	s12 =	sadd.s32 $0x7C00, s14;
	[sflag:s8] =	ssyncadd.s32 $0xFFFFC000  }
0x20: {  	[hbm4b:s12+s2] =	stream.linear.scatter [tilespmem:s7], [sflag:$0x2], $0x4000, $0x38;
	[tilespmem:$0x5000] =	vst v63  }
0x21: {  	s16 =	sshrl.u32 s15, $0x1;
	_ =	swait.ge [sflag:s3], $0x4000  }
0x22: {  	s15 =	ssub.s32 s15, s16;
	[sflag:s3] =	ssyncset.done $0x0  }
0x23: {  	s13 =	simm.s32 $0xC00;
	s15 =	smax.u32 s15, $0x1;
	[sflag:s3] =	ssyncadd.s32 $0xFFFFC000  }
0x24: {  	[tilespmem:s7], [sflag:$0x1] =	stream.indirect.gather [hbm4b:s5+s6], $0x10, s13, s6, $0xb8;
	[tilespmem:$0x5000] =	vst v63  }
0x25: {  	p0 =	sne.s32 s15, $0x1;
	_ =	swait.ge [sflag:s8], $0x4000  }
.Ltmp0:
0x26: {  	[sflag:s8] =	ssyncset.done $0x0;
	(pc) =	sbr.rel @!p0 .LBB2_2-.Ltmp0, $4  }
0x27: {  	s14 =	sadd.s32 $0x8400, s14;
	[sflag:s8] =	ssyncadd.s32 $0xFFFFC000  }
0x28: {  	[hbm4b:s14+s2] =	stream.linear.scatter [tilespmem:s7], [sflag:$0x2], $0x4000, $0x38;
	[tilespmem:$0x5000] =	vst v63  }
0x29: {  	_ =	swait.ge [sflag:s3], $0x4000  }
0x2a: {  	s15 =	sadd.s32 $0xFFFFFFFF, s15;
	[sflag:s3] =	ssyncset.done $0x0  }
.LBB2_1:
0x2b: {  	p0 =	sne.s32 s15, $0x1;
	s15 =	sadd.s32 $0xFFFFFFFF, s15;
	[sflag:s3] =	ssyncadd.s32 $0xFFFFC000  }
0x2c: {  	[tilespmem:s2], [sflag:$0x2] =	stream.linear.gather [hbm4b:s4+s2], $0x1000, $0x38;
	[tilespmem:$0x5000] =	vst v63  }
0x2d: {  	_ =	swait.ge [sflag:s3], $0x1000  }
0x2e: {  	[sflag:s3] =	ssyncset.done $0x0  }
0x2f: {  	[sflag:s3] =	ssyncadd.s32 $0xFFFFF000  }
0x30: {  	[tilespmem:s7], [sflag:$0x1] =	stream.indirect.gather [hbm4b:s5+s6], $0x10, s2, s6, $0xb8;
	[tilespmem:$0x5000] =	vst v63  }
0x31: {  	_ =	swait.ge [sflag:s8], $0x4000  }
0x32: {  	[sflag:s8] =	ssyncset.done $0x0  }
0x33: {  	[sflag:s8] =	ssyncadd.s32 $0xFFFFC000  }
0x34: {  	[hbm4b:s9+s2] =	stream.linear.scatter [tilespmem:s7], [sflag:$0x2], $0x4000, $0x38;
	[tilespmem:$0x5000] =	vst v63  }
0x35: {  	_ =	swait.ge [sflag:s3], $0x4000  }
0x36: {  	[sflag:s3] =	ssyncset.done $0x0  }
0x37: {  	[sflag:s3] =	ssyncadd.s32 $0xFFFFC000  }
0x38: {  	[tilespmem:s7], [sflag:$0x1] =	stream.indirect.gather [hbm4b:s5+s6], $0x10, s6, s6, $0xb8;
	[tilespmem:$0x5000] =	vst v63  }
0x39: {  	_ =	swait.ge [sflag:s8], $0x4000  }
0x3a: {  	[sflag:s8] =	ssyncset.done $0x0  }
0x3b: {  	[sflag:s8] =	ssyncadd.s32 $0xFFFFC000  }
0x3c: {  	[hbm4b:s10+s2] =	stream.linear.scatter [tilespmem:s7], [sflag:$0x2], $0x4000, $0x38;
	[tilespmem:$0x5000] =	vst v63  }
0x3d: {  	_ =	swait.ge [sflag:s3], $0x4000  }
0x3e: {  	[sflag:s3] =	ssyncset.done $0x0  }
0x3f: {  	[sflag:s3] =	ssyncadd.s32 $0xFFFFC000  }
0x40: {  	[tilespmem:s7], [sflag:$0x1] =	stream.indirect.gather [hbm4b:s5+s6], $0x10, s11, s6, $0xb8;
	[tilespmem:$0x5000] =	vst v63  }
0x41: {  	_ =	swait.ge [sflag:s8], $0x4000  }
0x42: {  	[sflag:s8] =	ssyncset.done $0x0  }
0x43: {  	[sflag:s8] =	ssyncadd.s32 $0xFFFFC000  }
0x44: {  	[hbm4b:s12+s2] =	stream.linear.scatter [tilespmem:s7], [sflag:$0x2], $0x4000, $0x38;
	[tilespmem:$0x5000] =	vst v63  }
0x45: {  	_ =	swait.ge [sflag:s3], $0x4000  }
0x46: {  	[sflag:s3] =	ssyncset.done $0x0  }
0x47: {  	[sflag:s3] =	ssyncadd.s32 $0xFFFFC000  }
0x48: {  	[tilespmem:s7], [sflag:$0x1] =	stream.indirect.gather [hbm4b:s5+s6], $0x10, s13, s6, $0xb8;
	[tilespmem:$0x5000] =	vst v63  }
0x49: {  	_ =	swait.ge [sflag:s8], $0x4000  }
.Ltmp1:
0x4a: {  	[sflag:s8] =	ssyncset.done $0x0;
	(pc) =	sbr.rel @p0 .LBB2_1-.Ltmp1, $4  }
0x4b: {  	[sflag:s8] =	ssyncadd.s32 $0xFFFFC000  }
0x4c: {  	[hbm4b:s14+s2] =	stream.linear.scatter [tilespmem:s7], [sflag:$0x2], $0x4000, $0x38;
	[tilespmem:$0x5000] =	vst v63  }
0x4d: {  	_ =	swait.ge [sflag:s3], $0x4000  }
0x4e: {  	[sflag:s3] =	ssyncset.done $0x0  }
.LBB2_2:
0x4f: {  	[sflag:s3] =	ssyncadd.s32 $0xFFFFC000  }
0x50: {  	_ =	sfence.sel $0x180000  }
0x51: {  	[bflag:$0x0] =	sbarrier.arrive $0xFFFF  }
0x52: {  	p0 =	sne.s32 s0, $0x0;
	_ =	strace $0x90000047  }
0x53: {  	s0 =	sadd.s32 @!p0 $0x100000, s1;
	[bflag:$0x2] =	sbarrier.arrive $0xFFFF  }
0x54: {  	[sflag:s0] =	ssyncadd.tile.s32 @!p0 $0x1;
	_ =	shalt  }
.Lfunc_end2:
_tile_overlayer_lowered:
.L_overlay_start_2:
0x55: {  	(tag) =	ssettag $0x2  }
0x56: {  	s0 =	rddreg [dreg:$0x0];
	s2 =	stileid.u32  }
0x57: {  	s1 =	rddreg [dreg:$0x1];
	p0 =	sne.s32 s2, $0x0  }
0x58: {  	s3 =	rddreg [dreg:$0x2];
	[bflag:$0x3] =	sbarrier.arrive $0xFFFF;
	s2 =	simm.s32 @!p0 $0x1C02  }
0x59: {  	[timem:s3], [sflag:s2] =	dma.local @!p0 [hbm:s0], s1  }
0x5a: {  	s0 =	simm.s32 @!p0 $0x2  }
0x5b: {  	_ =	swait.ge @!p0 [sflag:s0], s1  }
0x5c: {  	s1 =	ssub.s32 @!p0 $0x0, s1;
	[sflag:s0] =	ssyncset.done @!p0 $0x0  }
0x5d: {  	[sflag:s0] =	ssyncadd.s32 @!p0 s1  }
0x5e: {  	[bflag:$0x3] =	sbarrier.arrive $0xFFFF  }
0x5f: {  	_ =	shalt  }

// kernel: kernel.14.cloned.1.call-start
scs
__scs_entry_jumppad:
0x0: {  	(pc) =	sbr.rel $0x88, $3  }
0x1: {  	(tag) =	ssettag $0x0;
	lr =	simm.s32 $0x1  }
0x2: {  	[smem:$0x3F94] =	sst lr;
	_ =	strace $0xD0000000  }
0x3: {  	_ = 	snop  }
0x4: {  	_ = 	snop  }
0x5: {  	_ = 	snop  }
0x6: {  	_ = 	snop  }
0x7: {  	_ = 	snop  }
__scs_overlays_trampoline_lowered:
0x8: {  	[smem:$0x3FA3] =	sst s0  }
0x9: {  	[smem:$0x3FA4] =	sst s1  }
0xa: {  	[smem:$0x3FA5] =	sst s2  }
0xb: {  	[smem:$0x3FA6] =	sst s3  }
0xc: {  	[smem:$0x3FA7] =	sst s4  }
0xd: {  	[smem:$0x3FA8] =	sst s5  }
0xe: {  	[smem:$0x3FA9] =	sst s6  }
0xf: {  	[smem:$0x3FAA] =	sst s7  }
0x10: {  	[smem:$0x3FAB] =	sst s8  }
0x11: {  	[smem:$0x3FAC] =	sst s9;
	s0 =	simm.s32 @!p0 $0x0  }
0x12: {  	s1 =	sld [smem:$0x3F92];
	s0 =	simm.s32 @p0 $0x1  }
0x13: {  	[smem:$0x3FAD] =	sst s0;
	s0 =	simm.s32 @!p1 $0x0  }
0x14: {  	s2 =	sld [smem:$0x3F91];
	s0 =	simm.s32 @p1 $0x1  }
0x15: {  	[smem:$0x3FAE] =	sst s0;
	s0 =	simm.s32 @!p2 $0x0  }
0x16: {  	s3 =	sld [smem:$0x3FDB];
	s0 =	simm.s32 @p2 $0x1  }
0x17: {  	s4 =	simm.s32 $0x1BF5;
	[smem:$0x3FB0] =	sst s0  }
0x18: {  	s0 =	sld [smem:$0x3F93];
	_ =	swait.ge [sflag:s4], $0x0  }
0x19: {  	s7 =	sld [smem:$0x3F94]  }
0x1a: {  	s8 =	sadd.s32 $0xFFFFE003, lr  }
0x1b: {  	s9 =	sadd.s32 $0xFFFFFEF7, lr;
	s5 =	simm.s32 $0xFFFFFFFF;
	p2 =	slt.u32 s8, $0xFFFFF086  }
0x1c: {  	p1 =	slt.u32 s9, $0xF7A;
	s5 =	simm.s32 @!p2 $0x0  }
0x1d: {  	s5 =	simm.s32 @p1 $0x1;
	p0 =	seq.s32 s7, s2  }
0x1e: {  	s7 =	smul.u32 @!p0 $0xF7A, s2;
	p2 =	seq.s32 @!p0 s5, $0x0  }
0x1f: {  	s9 =	smul.u32 $0xF7A, s1;
	s8 =	simm.s32 @!p0 $0x1BF5;
	p2 =	por !p2, p0  }
0x20: {  	[sflag:s8] =	ssyncset.s32 @!p0 $0xFFFFF086;
	s6 =	sadd.s32 @!p0 s3, s7;
	s7 =	simm.s32 @!p0 $0x108  }
0x21: {  	s3 =	sadd.s32 s3, s9;
	s6 =	sadd.s32 @!p0 $0x88, s6;
	s7 =	simm.s32 @p2 $0x1082  }
0x22: {  	[simem:s7], [sflag:s8] =	dma.local @!p0 [hbm:s6], $0xF7A  }
0x23: {  	s9 =	sor.u32 $0xD0000000, s2;
	s6 =	simm.s32 $0x108;
	_ =	swait.ge @!p0 [sflag:s8], $0x0  }
0x24: {  	s3 =	sadd.s32 $0x88, s3;
	s6 =	simm.s32 @!p1 $0x1082;
	[sflag:s4] =	ssyncset.s32 $0xFFFFF086  }
0x25: {  	[simem:s6], [sflag:s4] =	dma.local [hbm:s3], $0xF7A  }
0x26: {  	[smem:$0x3F94] =	sst s1;
	(tag) =	ssettag s2;
	_ =	strace s9  }
0x27: {  	s1 =	sld [smem:$0x3FA4]  }
0x28: {  	s2 =	sld [smem:$0x3FA5]  }
0x29: {  	s4 =	sld [smem:$0x3FA7]  }
0x2a: {  	p0 =	seq.s32 s5, $0x0;
	s5 =	sld [smem:$0x3FA8]  }
0x2b: {  	s6 =	sld [smem:$0x3FA9]  }
0x2c: {  	s7 =	sld [smem:$0x3FAA]  }
0x2d: {  	s3 =	simm.s32 $0x108;
	s8 =	sld [smem:$0x3FAB]  }
0x2e: {  	s3 =	simm.s32 @!p0 $0x1082;
	s9 =	sld [smem:$0x3FAC]  }
0x2f: {  	lr =	sadd.s32 s0, s3;
	s0 =	sld [smem:$0x3FA3]  }
0x30: {  	s3 =	sld [smem:$0x3FA6]  }
0x31: {  	[smem:$0x3FAF] =	sst s10  }
0x32: {  	s10 =	sld [smem:$0x3FAD];
	_ =	sdelay $0x3  }
0x33: {  	p0 =	seq.s32 s10, $0x1;
	s10 =	sld [smem:$0x3FAF];
	_ =	sdelay $0x3  }
0x34: {  	[smem:$0x3FAF] =	sst s10  }
0x35: {  	s10 =	sld [smem:$0x3FAE];
	_ =	sdelay $0x3  }
0x36: {  	p1 =	seq.s32 s10, $0x1;
	s10 =	sld [smem:$0x3FAF];
	_ =	sdelay $0x3  }
0x37: {  	[smem:$0x3FAF] =	sst s10  }
0x38: {  	s10 =	sld [smem:$0x3FB0]  }
0x39: {  	_ = 	snop;
	(pc) =	sbr.ind lr, $3  }
0x3a: {  	_ = 	snop  }
0x3b: {  	_ = 	snop  }
0x3c: {  	p2 =	seq.s32 s10, $0x1;
	s10 =	sld [smem:$0x3FAF]  }
0x3d: {  	_ =	shalt  }
0x3e: {  	_ =	shalt  }
0x3f: {  	_ =	shalt  }
0x40: {  	_ =	shalt  }
0x41: {  	_ =	shalt  }
0x42: {  	_ =	shalt  }
0x43: {  	_ =	shalt  }
0x44: {  	_ =	shalt  }
0x45: {  	_ =	shalt  }
0x46: {  	_ =	shalt  }
0x47: {  	_ =	shalt  }
0x48: {  	_ =	shalt  }
0x49: {  	_ =	shalt  }
0x4a: {  	_ =	shalt  }
0x4b: {  	_ =	shalt  }
0x4c: {  	_ =	shalt  }
0x4d: {  	_ =	shalt  }
0x4e: {  	_ =	shalt  }
0x4f: {  	_ =	shalt  }
0x50: {  	_ =	shalt  }
0x51: {  	_ =	shalt  }
0x52: {  	_ =	shalt  }
0x53: {  	_ =	shalt  }
0x54: {  	_ =	shalt  }
0x55: {  	_ =	shalt  }
0x56: {  	_ =	shalt  }
0x57: {  	_ =	shalt  }
0x58: {  	_ =	shalt  }
0x59: {  	_ =	shalt  }
0x5a: {  	_ =	shalt  }
0x5b: {  	_ =	shalt  }
0x5c: {  	_ =	shalt  }
0x5d: {  	_ =	shalt  }
0x5e: {  	_ =	shalt  }
0x5f: {  	_ =	shalt  }
0x60: {  	_ =	shalt  }
0x61: {  	_ =	shalt  }
0x62: {  	_ =	shalt  }
0x63: {  	_ =	shalt  }
0x64: {  	_ =	shalt  }
0x65: {  	_ =	shalt  }
0x66: {  	_ =	shalt  }
0x67: {  	_ =	shalt  }
0x68: {  	_ =	shalt  }
0x69: {  	_ =	shalt  }
0x6a: {  	_ =	shalt  }
0x6b: {  	_ =	shalt  }
0x6c: {  	_ =	shalt  }
0x6d: {  	_ =	shalt  }
0x6e: {  	_ =	shalt  }
0x6f: {  	_ =	shalt  }
0x70: {  	_ =	shalt  }
0x71: {  	_ =	shalt  }
0x72: {  	_ =	shalt  }
0x73: {  	_ =	shalt  }
0x74: {  	_ =	shalt  }
0x75: {  	_ =	shalt  }
0x76: {  	_ =	shalt  }
0x77: {  	_ =	shalt  }
0x78: {  	_ =	shalt  }
0x79: {  	_ =	shalt  }
0x7a: {  	_ =	shalt  }
0x7b: {  	_ =	shalt  }
0x7c: {  	_ =	shalt  }
0x7d: {  	_ =	shalt  }
0x7e: {  	_ =	shalt  }
0x7f: {  	_ =	shalt  }
0x80: {  	_ =	shalt  }
0x81: {  	_ =	shalt  }
0x82: {  	_ =	shalt  }
0x83: {  	_ =	shalt  }
0x84: {  	_ =	shalt  }
0x85: {  	_ =	shalt  }
0x86: {  	_ =	shalt  }
0x87: {  	_ =	shalt  }
.Lfunc_end0:
.L_simem_size_0:
called_computation.2_lowered:
.L_overlay_start_0:
0x88: {  	s2 =	sld [smem:$0x3FD9]  }
0x89: {  	s3 =	sld [smem:$0x3FFE];
	_ =	sdelay $0x1  }
0x8a: {  	s1 =	srdreg.scid  }
0x8b: {  	s0 =	sand.u32 $0x1, s1  }
0x8c: {  	s14 =	sshll.u32 s0, $0xA;
	s2 =	sadd.s32 s3, s2  }
0x8d: {  	s2 =	sadd.s32 s2, s14  }
0x8e: {  	[smem:$0x3FBB] =	sst s2  }
0x8f: {  	_ = 	snop  }
0x90: {  	s2 =	sld [smem:$0x3FD0];
	_ =	sdelay $0x2  }
0x91: {  	s4 =	simm.s32 $0xB;
	s5 =	simm.s32 $0x10;
	s15 =	sld [smem:$0x3FC3]  }
0x92: {  	[smem:s5], [sflag:s4] =	dma.local [hbm:s2], $0x1  }
0x93: {  	_ =	swait.eq [sflag:s4], $0x1  }
0x94: {  	[sflag:s4] =	ssyncset.done $0x0  }
0x95: {  	s16 =	sld [smem:$0x10];
	[sflag:s4] =	ssyncadd.s32 $0xFFFFFFFF  }
0x96: {  	s17 =	sld [smem:$0x11];
	(tm) =	ssettm $0x1  }
0x97: {  	s18 =	sld [smem:$0x3FFB];
	_ =	sdelay $0x3  }
0x98: {  	_ =	strace s18  }
0x99: {  	s5 =	sld [smem:$0x3FFC];
	_ =	sdelay $0x3  }
0x9a: {  	_ =	strace s5  }
0x9b: {  	s5 =	sld [smem:$0x3FFD];
	_ =	sdelay $0x3  }
0x9c: {  	_ =	strace s5  }
0x9d: {  	_ =	strace $0x8FFFFFFF  }
0x9e: {  	s19 =	sld [smem:$0x3FDB];
	_ =	sdelay $0x1  }
0x9f: {  	s6 =	simm.s32 $_scs_section_size  }
0xa0: {  	s7 =	simm.s32 $_size__tile_overlayer_lowered;
	s8 =	simm.s32 $_tile_overlayer_lowered  }
0xa1: {  	s22 =	simm.s32 $0x1BFF;
	s21 =	sshll.u32 s8, $0x1;
	s5 =	sadd.s32 s6, s19  }
0xa2: {  	s9 =	simm.s32 $0x0;
	s20 =	sshll.u32 s7, $0x1;
	s7 =	sadd.s32 s21, s5  }
0xa3: {  	[timem:s9], [sflag:s22] =	dma.local [hbm:s7], s20  }
0xa4: {  	_ =	swait.ge [sflag:s22], s20  }
0xa5: {  	s6 =	ssub.s32 $0x0, s20;
	[sflag:s22] =	ssyncset.done $0x0  }
0xa6: {  	[sflag:s22] =	ssyncadd.s32 s6;
	_ =	sdelay $0x1  }
0xa7: {  	s23 =	simm.s32 $0x1B8B  }
0xa8: {  	_ =	swait.ge [sflag:s23], $0x1  }
0xa9: {  	[sflag:s23] =	ssyncset.done $0x0  }
0xaa: {  	s25 =	simm.s32 $0x1B8E;
	s24 =	sld [smem:$0x3FFE];
	[sflag:s23] =	ssyncadd.s32 $0xFFFFFFFF  }
0xab: {  	s26 =	simm.s32 $execute0_lowered;
	[smem:$0x3FD2] =	sst s25  }
0xac: {  	s7 =	sshll.u32 s26, $0x1;
	_ =	strace $0x8000004C;
	[dreg:$0x1] =	wrdreg $0xFFFFFFFF  }
0xad: {  	s28 =	simm.s32 $_size_execute0_lowered;
	s5 =	sadd.s32 s5, s7;
	[dreg:$0x0] =	wrdreg $0x0  }
0xae: {  	s7 =	sshll.u32 s28, $0x1;
	[dreg:$0x2] =	wrdreg s5  }
0xaf: {  	[dreg:$0x3] =	wrdreg s7  }
0xb0: {  	[dreg:$0x4] =	wrdreg $0xC0  }
0xb1: {  	_ =	task [dreg:s9], $0x5FFFF  }
0xb2: {  	[dreg:$0x1] =	wrdreg $0xFFFFFFFF  }
0xb3: {  	[dreg:$0x0] =	wrdreg $0x60  }
0xb4: {  	[dreg:$0x2] =	wrdreg s17  }
0xb5: {  	[dreg:$0x3] =	wrdreg s16  }
0xb6: {  	[dreg:$0x4] =	wrdreg s24  }
0xb7: {  	[dreg:$0x5] =	wrdreg s15  }
0xb8: {  	[dreg:$0x6] =	wrdreg $0x9  }
0xb9: {  	_ =	task.clear_ibuf [dreg:s9], $0x7FFFF;
	_ =	strace $0x9000004C  }
0xba: {  	s29 =	simm.s32 $0x9;
	_ =	strace $0x8000004E  }
0xbb: {  	_ =	swait.ge [sflag:s29], $0x1  }
0xbc: {  	[sflag:s29] =	ssyncadd.s32 $0xFFFFFFFF  }
0xbd: {  	_ =	strace $0x9000004E  }
0xbe: {  	_ =	sfence  }
0xbf: {  	s30 =	sld [smem:$0x0];
	_ =	sdelay $0x2  }
0xc0: {  	s31 =	sshll.u32 s1, $0xD;
	s1 =	sshrl.u32 s1, $0x2  }
0xc1: {  	s3 =	sand.u32 $0x4000, s31;
	s1 =	sadd.s32 s1, s30  }
0xc2: {  	s0 =	sor.u32 s3, s0;
	s1 =	sshll.u32 s1, $0x11  }
0xc3: {  	s0 =	sor.u32 s1, s0  }
0xc4: {  	s0 =	sadd.s32 $0x8F2B, s0  }
0xc5: {  	[sflag:s0] =	ssyncadd.remote.s32 $0x1  }
0xc6: {  	_ =	sfence.sel $0xFFFF  }
0xc7: {  	[dreg:$0x0] =	wrdreg $0xFFFFFFFF;
	(pc) =	sbr.abs _section_cstart, $3  }
0xc8: {  	[dreg:$0x1] =	wrdreg $0xFFFFFFFF  }
0xc9: {  	_ =	task.clear_ibuf [dreg:s9], $0x2FFFF;
	_ =	strace $0x9FFFFFFF  }
0xca: {  	(tm) =	ssettm $0x7FFFFFFF  }
0xcb: {  	_ =	shalt  }
tec
execute0_lowered:
.L_overlay_start_1:
0x0: {  	(tag) =	ssettag $0x1  }
0x1: {  	s1 =	rddreg [dreg:$0x0]  }
0x2: {  	s2 =	rddreg [dreg:$0x1];
	s3 =	srdreg.scid  }
0x3: {  	s5 =	rddreg [dreg:$0x2];
	s0 =	stileid.u32;
	s9 =	sand.u32 $0x1, s3  }
0x4: {  	s7 =	rddreg [dreg:$0x3];
	s6 =	sshll.u32 s0, $0x5;
	s8 =	sshll.u32 s9, $0x4  }
0x5: {  	s4 =	simm.s32 $0x0;
	s3 =	rddreg [dreg:$0x4];
	s8 =	sor.u32 s8, s6  }
0x6: {  	[smem:$0x7FF] =	sst s4;
	s5 =	sadd.s32 s8, s5  }
0x7: {  	_ =	strace $0x8000004D;
	s6 =	simm.s32 $0x2;
	s5 =	sadd.s32 $0x2C00, s5  }
0x8: {  	[tilespmem:s4], [sflag:$0x2] =	stream.linear.gather [hbm4b:s5+s4], $0x80, $0x38;
	[tilespmem:$0x4100] =	vst v63  }
0x9: {  	_ =	swait.ge [sflag:s6], $0x80  }
0xa: {  	s11 =	ssub.s32 $0x2, s9;
	[sflag:s6] =	ssyncset.done $0x0  }
0xb: {  	s7 =	sadd.s32 s7, s8;
	s8 =	simm.s32 $0x80;
	[sflag:s6] =	ssyncadd.s32 $0xFFFFFF80  }
0xc: {  	[tilespmem:s8], [sflag:$0x2] =	stream.linear.gather [hbm4b:s7+s4], $0x80, $0x38;
	[tilespmem:$0x4100] =	vst v63  }
0xd: {  	s12 =	sshrl.u32 s11, $0x1;
	_ =	swait.ge [sflag:s6], $0x80  }
0xe: {  	s10 =	simm.s32 $0x100;
	s11 =	ssub.s32 s11, s12;
	[sflag:s6] =	ssyncset.done $0x0  }
0xf: {  	s9 =	simm.s32 $0x1;
	s11 =	smax.u32 s11, $0x1;
	[sflag:s6] =	ssyncadd.s32 $0xFFFFFF80  }
0x10: {  	[tilespmem:s10], [sflag:$0x1] =	stream.indirect.gather [hbm4b:s2+s8], $0x80, s4, s8, $0xb8;
	[tilespmem:$0x4100] =	vst v63  }
0x11: {  	p0 =	sne.s32 s11, $0x1;
	_ =	swait.ge [sflag:s9], $0x4000  }
.Ltmp0:
0x12: {  	[sflag:s9] =	ssyncset.done $0x0;
	(pc) =	sbr.rel @!p0 .LBB2_2-.Ltmp0, $4  }
0x13: {  	[sflag:s9] =	ssyncadd.s32 $0xFFFFC000  }
0x14: {  	[hbm4b:s1+s8] =	stream.indirect.scatter [tilespmem:s10], [sflag:$0x1], $0x80, s8, s8, $0xb8;
	[tilespmem:$0x4100] =	vst v63  }
0x15: {  	_ =	swait.ge [sflag:s9], $0x4000  }
0x16: {  	s11 =	sadd.s32 $0xFFFFFFFF, s11;
	[sflag:s9] =	ssyncset.done $0x0  }
.LBB2_1:
0x17: {  	p0 =	sne.s32 s11, $0x1;
	s11 =	sadd.s32 $0xFFFFFFFF, s11;
	[sflag:s9] =	ssyncadd.s32 $0xFFFFC000  }
0x18: {  	[tilespmem:s4], [sflag:$0x2] =	stream.linear.gather [hbm4b:s5+s4], $0x80, $0x38;
	[tilespmem:$0x4100] =	vst v63  }
0x19: {  	_ =	swait.ge [sflag:s6], $0x80  }
0x1a: {  	[sflag:s6] =	ssyncset.done $0x0  }
0x1b: {  	[sflag:s6] =	ssyncadd.s32 $0xFFFFFF80  }
0x1c: {  	[tilespmem:s8], [sflag:$0x2] =	stream.linear.gather [hbm4b:s7+s4], $0x80, $0x38;
	[tilespmem:$0x4100] =	vst v63  }
0x1d: {  	_ =	swait.ge [sflag:s6], $0x80  }
0x1e: {  	[sflag:s6] =	ssyncset.done $0x0  }
0x1f: {  	[sflag:s6] =	ssyncadd.s32 $0xFFFFFF80  }
0x20: {  	[tilespmem:s10], [sflag:$0x1] =	stream.indirect.gather [hbm4b:s2+s8], $0x80, s4, s8, $0xb8;
	[tilespmem:$0x4100] =	vst v63  }
0x21: {  	_ =	swait.ge [sflag:s9], $0x4000  }
.Ltmp1:
0x22: {  	[sflag:s9] =	ssyncset.done $0x0;
	(pc) =	sbr.rel @p0 .LBB2_1-.Ltmp1, $4  }
0x23: {  	[sflag:s9] =	ssyncadd.s32 $0xFFFFC000  }
0x24: {  	[hbm4b:s1+s8] =	stream.indirect.scatter [tilespmem:s10], [sflag:$0x1], $0x80, s8, s8, $0xb8;
	[tilespmem:$0x4100] =	vst v63  }
0x25: {  	_ =	swait.ge [sflag:s9], $0x4000  }
0x26: {  	[sflag:s9] =	ssyncset.done $0x0  }
.LBB2_2:
0x27: {  	[sflag:s9] =	ssyncadd.s32 $0xFFFFC000  }
0x28: {  	_ =	sfence.sel $0x180000  }
0x29: {  	[bflag:$0x0] =	sbarrier.arrive $0xFFFF  }
0x2a: {  	p0 =	sne.s32 s0, $0x0;
	_ =	strace $0x9000004D  }
0x2b: {  	s0 =	sadd.s32 @!p0 $0x100000, s3;
	[bflag:$0x2] =	sbarrier.arrive $0xFFFF  }
0x2c: {  	[sflag:s0] =	ssyncadd.tile.s32 @!p0 $0x1;
	_ =	shalt  }
.Lfunc_end2:
_tile_overlayer_lowered:
.L_overlay_start_2:
0x2d: {  	(tag) =	ssettag $0x2  }
0x2e: {  	s0 =	rddreg [dreg:$0x0];
	s2 =	stileid.u32  }
0x2f: {  	s1 =	rddreg [dreg:$0x1];
	p0 =	sne.s32 s2, $0x0  }
0x30: {  	s3 =	rddreg [dreg:$0x2];
	[bflag:$0x3] =	sbarrier.arrive $0xFFFF;
	s2 =	simm.s32 @!p0 $0x1C02  }
0x31: {  	[timem:s3], [sflag:s2] =	dma.local @!p0 [hbm:s0], s1  }
0x32: {  	s0 =	simm.s32 @!p0 $0x2  }
0x33: {  	_ =	swait.ge @!p0 [sflag:s0], s1  }
0x34: {  	s1 =	ssub.s32 @!p0 $0x0, s1;
	[sflag:s0] =	ssyncset.done @!p0 $0x0  }
0x35: {  	[sflag:s0] =	ssyncadd.s32 @!p0 s1  }
0x36: {  	[bflag:$0x3] =	sbarrier.arrive $0xFFFF  }
0x37: {  	_ =	shalt  }

// kernel: kernel.8.cloned.1.call-start
scs
__scs_entry_jumppad:
0x0: {  	(pc) =	sbr.rel $0x88, $3  }
0x1: {  	(tag) =	ssettag $0x0;
	lr =	simm.s32 $0x1  }
0x2: {  	[smem:$0x3F94] =	sst lr;
	_ =	strace $0xD0000000  }
0x3: {  	_ = 	snop  }
0x4: {  	_ = 	snop  }
0x5: {  	_ = 	snop  }
0x6: {  	_ = 	snop  }
0x7: {  	_ = 	snop  }
__scs_overlays_trampoline_lowered:
0x8: {  	[smem:$0x3FA3] =	sst s0  }
0x9: {  	[smem:$0x3FA4] =	sst s1  }
0xa: {  	[smem:$0x3FA5] =	sst s2  }
0xb: {  	[smem:$0x3FA6] =	sst s3  }
0xc: {  	[smem:$0x3FA7] =	sst s4  }
0xd: {  	[smem:$0x3FA8] =	sst s5  }
0xe: {  	[smem:$0x3FA9] =	sst s6  }
0xf: {  	[smem:$0x3FAA] =	sst s7  }
0x10: {  	[smem:$0x3FAB] =	sst s8  }
0x11: {  	[smem:$0x3FAC] =	sst s9;
	s0 =	simm.s32 @!p0 $0x0  }
0x12: {  	s1 =	sld [smem:$0x3F92];
	s0 =	simm.s32 @p0 $0x1  }
0x13: {  	[smem:$0x3FAD] =	sst s0;
	s0 =	simm.s32 @!p1 $0x0  }
0x14: {  	s2 =	sld [smem:$0x3F91];
	s0 =	simm.s32 @p1 $0x1  }
0x15: {  	[smem:$0x3FAE] =	sst s0;
	s0 =	simm.s32 @!p2 $0x0  }
0x16: {  	s3 =	sld [smem:$0x3FDB];
	s0 =	simm.s32 @p2 $0x1  }
0x17: {  	s4 =	simm.s32 $0x1BF5;
	[smem:$0x3FB0] =	sst s0  }
0x18: {  	s0 =	sld [smem:$0x3F93];
	_ =	swait.ge [sflag:s4], $0x0  }
0x19: {  	s7 =	sld [smem:$0x3F94]  }
0x1a: {  	s8 =	sadd.s32 $0xFFFFE003, lr  }
0x1b: {  	s9 =	sadd.s32 $0xFFFFFEF7, lr;
	s5 =	simm.s32 $0xFFFFFFFF;
	p2 =	slt.u32 s8, $0xFFFFF086  }
0x1c: {  	p1 =	slt.u32 s9, $0xF7A;
	s5 =	simm.s32 @!p2 $0x0  }
0x1d: {  	s5 =	simm.s32 @p1 $0x1;
	p0 =	seq.s32 s7, s2  }
0x1e: {  	s7 =	smul.u32 @!p0 $0xF7A, s2;
	p2 =	seq.s32 @!p0 s5, $0x0  }
0x1f: {  	s9 =	smul.u32 $0xF7A, s1;
	s8 =	simm.s32 @!p0 $0x1BF5;
	p2 =	por !p2, p0  }
0x20: {  	[sflag:s8] =	ssyncset.s32 @!p0 $0xFFFFF086;
	s6 =	sadd.s32 @!p0 s3, s7;
	s7 =	simm.s32 @!p0 $0x108  }
0x21: {  	s3 =	sadd.s32 s3, s9;
	s6 =	sadd.s32 @!p0 $0x88, s6;
	s7 =	simm.s32 @p2 $0x1082  }
0x22: {  	[simem:s7], [sflag:s8] =	dma.local @!p0 [hbm:s6], $0xF7A  }
0x23: {  	s9 =	sor.u32 $0xD0000000, s2;
	s6 =	simm.s32 $0x108;
	_ =	swait.ge @!p0 [sflag:s8], $0x0  }
0x24: {  	s3 =	sadd.s32 $0x88, s3;
	s6 =	simm.s32 @!p1 $0x1082;
	[sflag:s4] =	ssyncset.s32 $0xFFFFF086  }
0x25: {  	[simem:s6], [sflag:s4] =	dma.local [hbm:s3], $0xF7A  }
0x26: {  	[smem:$0x3F94] =	sst s1;
	(tag) =	ssettag s2;
	_ =	strace s9  }
0x27: {  	s1 =	sld [smem:$0x3FA4]  }
0x28: {  	s2 =	sld [smem:$0x3FA5]  }
0x29: {  	s4 =	sld [smem:$0x3FA7]  }
0x2a: {  	p0 =	seq.s32 s5, $0x0;
	s5 =	sld [smem:$0x3FA8]  }
0x2b: {  	s6 =	sld [smem:$0x3FA9]  }
0x2c: {  	s7 =	sld [smem:$0x3FAA]  }
0x2d: {  	s3 =	simm.s32 $0x108;
	s8 =	sld [smem:$0x3FAB]  }
0x2e: {  	s3 =	simm.s32 @!p0 $0x1082;
	s9 =	sld [smem:$0x3FAC]  }
0x2f: {  	lr =	sadd.s32 s0, s3;
	s0 =	sld [smem:$0x3FA3]  }
0x30: {  	s3 =	sld [smem:$0x3FA6]  }
0x31: {  	[smem:$0x3FAF] =	sst s10  }
0x32: {  	s10 =	sld [smem:$0x3FAD];
	_ =	sdelay $0x3  }
0x33: {  	p0 =	seq.s32 s10, $0x1;
	s10 =	sld [smem:$0x3FAF];
	_ =	sdelay $0x3  }
0x34: {  	[smem:$0x3FAF] =	sst s10  }
0x35: {  	s10 =	sld [smem:$0x3FAE];
	_ =	sdelay $0x3  }
0x36: {  	p1 =	seq.s32 s10, $0x1;
	s10 =	sld [smem:$0x3FAF];
	_ =	sdelay $0x3  }
0x37: {  	[smem:$0x3FAF] =	sst s10  }
0x38: {  	s10 =	sld [smem:$0x3FB0]  }
0x39: {  	_ = 	snop;
	(pc) =	sbr.ind lr, $3  }
0x3a: {  	_ = 	snop  }
0x3b: {  	_ = 	snop  }
0x3c: {  	p2 =	seq.s32 s10, $0x1;
	s10 =	sld [smem:$0x3FAF]  }
0x3d: {  	_ =	shalt  }
0x3e: {  	_ =	shalt  }
0x3f: {  	_ =	shalt  }
0x40: {  	_ =	shalt  }
0x41: {  	_ =	shalt  }
0x42: {  	_ =	shalt  }
0x43: {  	_ =	shalt  }
0x44: {  	_ =	shalt  }
0x45: {  	_ =	shalt  }
0x46: {  	_ =	shalt  }
0x47: {  	_ =	shalt  }
0x48: {  	_ =	shalt  }
0x49: {  	_ =	shalt  }
0x4a: {  	_ =	shalt  }
0x4b: {  	_ =	shalt  }
0x4c: {  	_ =	shalt  }
0x4d: {  	_ =	shalt  }
0x4e: {  	_ =	shalt  }
0x4f: {  	_ =	shalt  }
0x50: {  	_ =	shalt  }
0x51: {  	_ =	shalt  }
0x52: {  	_ =	shalt  }
0x53: {  	_ =	shalt  }
0x54: {  	_ =	shalt  }
0x55: {  	_ =	shalt  }
0x56: {  	_ =	shalt  }
0x57: {  	_ =	shalt  }
0x58: {  	_ =	shalt  }
0x59: {  	_ =	shalt  }
0x5a: {  	_ =	shalt  }
0x5b: {  	_ =	shalt  }
0x5c: {  	_ =	shalt  }
0x5d: {  	_ =	shalt  }
0x5e: {  	_ =	shalt  }
0x5f: {  	_ =	shalt  }
0x60: {  	_ =	shalt  }
0x61: {  	_ =	shalt  }
0x62: {  	_ =	shalt  }
0x63: {  	_ =	shalt  }
0x64: {  	_ =	shalt  }
0x65: {  	_ =	shalt  }
0x66: {  	_ =	shalt  }
0x67: {  	_ =	shalt  }
0x68: {  	_ =	shalt  }
0x69: {  	_ =	shalt  }
0x6a: {  	_ =	shalt  }
0x6b: {  	_ =	shalt  }
0x6c: {  	_ =	shalt  }
0x6d: {  	_ =	shalt  }
0x6e: {  	_ =	shalt  }
0x6f: {  	_ =	shalt  }
0x70: {  	_ =	shalt  }
0x71: {  	_ =	shalt  }
0x72: {  	_ =	shalt  }
0x73: {  	_ =	shalt  }
0x74: {  	_ =	shalt  }
0x75: {  	_ =	shalt  }
0x76: {  	_ =	shalt  }
0x77: {  	_ =	shalt  }
0x78: {  	_ =	shalt  }
0x79: {  	_ =	shalt  }
0x7a: {  	_ =	shalt  }
0x7b: {  	_ =	shalt  }
0x7c: {  	_ =	shalt  }
0x7d: {  	_ =	shalt  }
0x7e: {  	_ =	shalt  }
0x7f: {  	_ =	shalt  }
0x80: {  	_ =	shalt  }
0x81: {  	_ =	shalt  }
0x82: {  	_ =	shalt  }
0x83: {  	_ =	shalt  }
0x84: {  	_ =	shalt  }
0x85: {  	_ =	shalt  }
0x86: {  	_ =	shalt  }
0x87: {  	_ =	shalt  }
.Lfunc_end0:
.L_simem_size_0:
called_computation_lowered:
.L_overlay_start_0:
0x88: {  	s2 =	sld [smem:$0x3FD9]  }
0x89: {  	s3 =	sld [smem:$0x3FFE];
	_ =	sdelay $0x1  }
0x8a: {  	s1 =	srdreg.scid  }
0x8b: {  	s0 =	sand.u32 $0x1, s1  }
0x8c: {  	s15 =	sshll.u32 s0, $0xA;
	s2 =	sadd.s32 s3, s2  }
0x8d: {  	s2 =	sadd.s32 s2, s15  }
0x8e: {  	[smem:$0x3FBB] =	sst s2  }
0x8f: {  	_ = 	snop  }
0x90: {  	s4 =	sld [smem:$0x3FD0];
	_ =	sdelay $0x1  }
0x91: {  	s16 =	sld [smem:$0x3FC9]  }
0x92: {  	s5 =	simm.s32 $0xB;
	s6 =	simm.s32 $0x10;
	s2 =	sld [smem:$0x3FC3]  }
0x93: {  	[smem:s6], [sflag:s5] =	dma.local [hbm:s4], $0x1  }
0x94: {  	_ =	swait.eq [sflag:s5], $0x1  }
0x95: {  	[sflag:s5] =	ssyncset.done $0x0  }
0x96: {  	[sflag:s5] =	ssyncadd.s32 $0xFFFFFFFF  }
0x97: {  	s17 =	sld [smem:$0x10];
	(tm) =	ssettm $0x1  }
0x98: {  	s18 =	sld [smem:$0x3FFB];
	_ =	sdelay $0x3  }
0x99: {  	_ =	strace s18  }
0x9a: {  	s4 =	sld [smem:$0x3FFC];
	_ =	sdelay $0x3  }
0x9b: {  	_ =	strace s4  }
0x9c: {  	s4 =	sld [smem:$0x3FFD];
	_ =	sdelay $0x3  }
0x9d: {  	_ =	strace s4  }
0x9e: {  	_ =	strace $0x8FFFFFFF  }
0x9f: {  	s19 =	sld [smem:$0x3FDB];
	_ =	sdelay $0x1  }
0xa0: {  	s20 =	simm.s32 $_scs_section_size  }
0xa1: {  	s7 =	simm.s32 $_size__tile_overlayer_lowered;
	s8 =	simm.s32 $_tile_overlayer_lowered  }
0xa2: {  	s9 =	simm.s32 $0x1BFF;
	s21 =	sshll.u32 s8, $0x1;
	s6 =	sadd.s32 s20, s19  }
0xa3: {  	s22 =	simm.s32 $0x0;
	s7 =	sshll.u32 s7, $0x1;
	s8 =	sadd.s32 s21, s6  }
0xa4: {  	[timem:s22], [sflag:s9] =	dma.local [hbm:s8], s7  }
0xa5: {  	_ =	swait.ge [sflag:s9], s7  }
0xa6: {  	s7 =	ssub.s32 $0x0, s7;
	[sflag:s9] =	ssyncset.done $0x0  }
0xa7: {  	[sflag:s9] =	ssyncadd.s32 s7;
	_ =	sdelay $0x1  }
0xa8: {  	s23 =	simm.s32 $0x1B8B  }
0xa9: {  	_ =	swait.ge [sflag:s23], $0x1  }
0xaa: {  	[sflag:s23] =	ssyncset.done $0x0  }
0xab: {  	[sflag:s23] =	ssyncadd.s32 $0xFFFFFFFF  }
0xac: {  	s7 =	sld [smem:$0x0]  }
0xad: {  	s8 =	sand.u32 $0xFFFFFFFE, s1  }
0xae: {  	p0 =	sne.s32 s1, s8  }
0xaf: {  	s8 =	sshll.u32 @p0 s8, $0xE  }
0xb0: {  	s8 =	sadd.s32 @p0 $0x11B8D, s8;
	s9 =	sshll.u32 @p0 s7, $0x11  }
0xb1: {  	s8 =	sor.u32 @p0 s9, s8  }
0xb2: {  	[sflag:s8] =	ssyncadd.remote.s32 @p0 $0x1;
	_ =	sdelay $0x1  }
0xb3: {  	s8 =	simm.s32 @p0 $0x1B8D  }
0xb4: {  	_ =	swait.eq @p0 [sflag:s8], $0x1  }
0xb5: {  	[sflag:s8] =	ssyncadd.s32 @p0 $0xFFFFFFFF  }
0xb6: {  	s9 =	sshll.u32 @!p0 s1, $0xE  }
0xb7: {  	s9 =	sor.u32 @!p0 $0x4000, s9;
	s8 =	simm.s32 @!p0 $0x1B8D  }
0xb8: {  	s7 =	sshll.u32 @!p0 s7, $0x11;
	s9 =	sadd.s32 @!p0 $0x11B8D, s9;
	_ =	swait.eq @!p0 [sflag:s8], $0x1  }
0xb9: {  	s7 =	sor.u32 @!p0 s7, s9;
	[sflag:s8] =	ssyncadd.s32 @!p0 $0xFFFFFFFF  }
0xba: {  	s25 =	simm.s32 $0x1B8E;
	s24 =	sld [smem:$0x3FFE];
	[sflag:s7] =	ssyncadd.remote.s32 @!p0 $0x1  }
0xbb: {  	s26 =	simm.s32 $execute0_lowered;
	[smem:$0x3FD2] =	sst s25  }
0xbc: {  	s8 =	sshll.u32 s26, $0x1;
	_ =	strace $0x80000049;
	[dreg:$0x1] =	wrdreg $0xFFFFFFFF  }
0xbd: {  	s28 =	simm.s32 $_size_execute0_lowered;
	s6 =	sadd.s32 s6, s8;
	[dreg:$0x0] =	wrdreg $0x0  }
0xbe: {  	s8 =	sshll.u32 s28, $0x1;
	[dreg:$0x2] =	wrdreg s6  }
0xbf: {  	[dreg:$0x3] =	wrdreg s8  }
0xc0: {  	[dreg:$0x4] =	wrdreg $0xC0  }
0xc1: {  	_ =	task [dreg:s22], $0x5FFFF  }
0xc2: {  	[dreg:$0x1] =	wrdreg $0xFFFFFFFF  }
0xc3: {  	[dreg:$0x0] =	wrdreg $0x60  }
0xc4: {  	[dreg:$0x2] =	wrdreg s16  }
0xc5: {  	[dreg:$0x3] =	wrdreg s24  }
0xc6: {  	[dreg:$0x4] =	wrdreg s2  }
0xc7: {  	[dreg:$0x5] =	wrdreg s17  }
0xc8: {  	[dreg:$0x6] =	wrdreg $0x9  }
0xc9: {  	_ =	task.clear_ibuf [dreg:s22], $0x7FFFF;
	_ =	strace $0x90000049  }
0xca: {  	s29 =	simm.s32 $0x9;
	_ =	strace $0x8000004B  }
0xcb: {  	_ =	swait.ge [sflag:s29], $0x1  }
0xcc: {  	[sflag:s29] =	ssyncadd.s32 $0xFFFFFFFF  }
0xcd: {  	_ =	strace $0x9000004B  }
0xce: {  	_ =	sfence  }
0xcf: {  	s30 =	sld [smem:$0x0];
	_ =	sdelay $0x2  }
0xd0: {  	s31 =	sshll.u32 s1, $0xD;
	s1 =	sshrl.u32 s1, $0x2  }
0xd1: {  	s3 =	sand.u32 $0x4000, s31;
	s1 =	sadd.s32 s1, s30  }
0xd2: {  	s0 =	sor.u32 s3, s0;
	s1 =	sshll.u32 s1, $0x11  }
0xd3: {  	s0 =	sor.u32 s1, s0  }
0xd4: {  	s0 =	sadd.s32 $0x8F2B, s0  }
0xd5: {  	[sflag:s0] =	ssyncadd.remote.s32 $0x1  }
0xd6: {  	_ =	sfence.sel $0xFFFF  }
0xd7: {  	[dreg:$0x0] =	wrdreg $0xFFFFFFFF;
	(pc) =	sbr.abs _section_cstart, $3  }
0xd8: {  	[dreg:$0x1] =	wrdreg $0xFFFFFFFF  }
0xd9: {  	_ =	task.clear_ibuf [dreg:s22], $0x2FFFF;
	_ =	strace $0x9FFFFFFF  }
0xda: {  	(tm) =	ssettm $0x7FFFFFFF  }
0xdb: {  	_ =	shalt  }
tec
execute0_lowered:
.L_overlay_start_1:
0x0: {  	(tag) =	ssettag $0x1  }
0x1: {  	s1 =	rddreg [dreg:$0x0]  }
0x2: {  	s4 =	rddreg [dreg:$0x1]  }
0x3: {  	s5 =	rddreg [dreg:$0x2]  }
0x4: {  	s6 =	rddreg [dreg:$0x3]  }
0x5: {  	s0 =	rddreg [dreg:$0x4];
	s7 =	srdreg.scid  }
0x6: {  	s2 =	stileid.u32;
	s3 =	simm.s32 $0x0;
	s13 =	simm.s32 $0x1  }
0x7: {  	s14 =	simm.s32 $0x5080;
	s15 =	simm.s32 $0x0;
	s7 =	sand.u32 $0x1, s7  }
0x8: {  	s8 =	sshll.u32 s2, $0x1;
	[smem:$0x7FF] =	sst s3;
	s11 =	sshll.u32 s2, $0x11  }
0x9: {  	s8 =	sor.u32 s7, s8;
	_ =	strace $0x8000004A;
	s10 =	ssub.s32 $0x2, s7  }
0xa: {  	s11 =	sadd.s32 s11, s4;
	s7 =	sshll.u32 s7, $0x10;
	s9 =	sshll.u32 s8, $0x9  }
0xb: {  	s12 =	sshrl.u32 s10, $0x1;
	s30 =	sshll.u32 s8, $0x4;
	s8 =	sshll.u32 s8, $0xB  }
0xc: {  	s31 =	sadd.s32 s7, s11;
	s11 =	simm.s32 $0x80;
	s9 =	sadd.s32 s9, s4  }
0xd: {  	s10 =	ssub.s32 s10, s12;
	s5 =	sadd.s32 s5, s30;
	s6 =	sadd.s32 s6, s8  }
0xe: {  	s8 =	sadd.s32 $0x4AC00, s31;
	s12 =	simm.s32 $0x1080;
	s4 =	sadd.s32 $0x46C00, s9  }
0xf: {  	s7 =	smax.u32 s10, $0x1;
	s9 =	simm.s32 $0x2;
	s10 =	simm.s32 $0x1000  }
.LBB2_1:
0x10: {  	[tilespmem:s3], [sflag:$0x2] =	stream.linear.gather [hbm4b:s4+s3], $0x1000, $0x38;
	[tilespmem:$0x9080] =	vst v63  }
0x11: {  	_ =	swait.ge [sflag:s9], $0x1000  }
0x12: {  	[sflag:s9] =	ssyncset.done $0x0  }
0x13: {  	[sflag:s9] =	ssyncadd.s32 $0xFFFFF000  }
0x14: {  	[tilespmem:s10], [sflag:$0x2] =	stream.linear.gather [hbm4b:s5+s3], $0x80, $0x38;
	[tilespmem:$0x9080] =	vst v63  }
0x15: {  	_ =	swait.ge [sflag:s9], $0x80  }
0x16: {  	[sflag:s9] =	ssyncset.done $0x0  }
0x17: {  	s16 =	simm.s32 $0x0;
	[sflag:s9] =	ssyncadd.s32 $0xFFFFFF80  }
0x18: {  	[tilespmem:s12], [sflag:$0x1] =	stream.indirect.gather [hbm4b:s1+s11], $0x80, s16, s11, $0xb8;
	[tilespmem:$0x9080] =	vst v63  }
0x19: {  	_ =	swait.ge [sflag:s13], $0x4000  }
0x1a: {  	[sflag:s13] =	ssyncset.done $0x0  }
0x1b: {  	[sflag:s13] =	ssyncadd.s32 $0xFFFFC000  }
0x1c: {  	[hbm4b:s8+s3] =	stream.linear.scatter [tilespmem:s12], [sflag:$0x2], $0x4000, $0x38;
	[tilespmem:$0x9080] =	vst v63  }
0x1d: {  	s17 =	simm.s32 $0x200;
	_ =	swait.ge [sflag:s9], $0x4000  }
0x1e: {  	s18 =	simm.s32 $0x400;
	s16 =	sadd.s32 $0x800, s8;
	[sflag:s9] =	ssyncset.done $0x0  }
.LBB2_2:
0x1f: {  	s19 =	sshra.s32 s17, $0x2  }
0x20: {  	[sflag:s9] =	ssyncadd.s32 $0xFFFFC000;
	s17 =	smov.u32 s18;
	s20 =	sadd.s32 $0x200, s18  }
0x21: {  	[tilespmem:s12], [sflag:$0x1] =	stream.indirect.gather [hbm4b:s1+s11], $0x80, s19, s11, $0xb8;
	[tilespmem:$0x9080] =	vst v63  }
0x22: {  	p0 =	sne.s32 s18, $0x3E00;
	_ =	swait.ge [sflag:s13], $0x4000  }
.Ltmp0:
0x23: {  	[sflag:s13] =	ssyncset.done $0x0;
	(pc) =	sbr.rel @p0 .LBB2_2-.Ltmp0, $4  }
0x24: {  	[sflag:s13] =	ssyncadd.s32 $0xFFFFC000  }
0x25: {  	[hbm4b:s16+s3] =	stream.linear.scatter [tilespmem:s12], [sflag:$0x2], $0x4000, $0x38;
	[tilespmem:$0x9080] =	vst v63  }
0x26: {  	_ =	swait.ge [sflag:s9], $0x4000  }
0x27: {  	s18 =	smov.u32 s20;
	s16 =	sadd.s32 $0x800, s16;
	[sflag:s9] =	ssyncset.done $0x0  }
0x28: {  	s17 =	sshra.s32 s17, $0x2;
	[sflag:s9] =	ssyncadd.s32 $0xFFFFC000  }
0x29: {  	[tilespmem:s12], [sflag:$0x1] =	stream.indirect.gather [hbm4b:s1+s11], $0x80, s17, s11, $0xb8;
	[tilespmem:$0x9080] =	vst v63  }
0x2a: {  	_ =	swait.ge [sflag:s13], $0x4000  }
0x2b: {  	[sflag:s13] =	ssyncset.done $0x0  }
0x2c: {  	[sflag:s13] =	ssyncadd.s32 $0xFFFFC000  }
0x2d: {  	[hbm4b:s16+s3] =	stream.linear.scatter [tilespmem:s12], [sflag:$0x2], $0x4000, $0x38;
	[tilespmem:$0x9080] =	vst v63  }
0x2e: {  	_ =	swait.ge [sflag:s9], $0x4000  }
0x2f: {  	[sflag:s9] =	ssyncset.done $0x0  }
0x30: {  	[sflag:s9] =	ssyncadd.s32 $0xFFFFC000  }
0x31: {  	[tilespmem:s14], [sflag:$0x1] =	stream.indirect.gather [hbm4b:s1+s11], $0x80, s10, s11, $0xb8;
	[tilespmem:$0x9080] =	vst v63  }
0x32: {  	s15 =	sadd.s32 $0x1, s15;
	_ =	swait.ge [sflag:s13], $0x4000  }
0x33: {  	p0 =	sne.s32 s15, s7;
	[sflag:s13] =	ssyncset.done $0x0  }
.Ltmp1:
0x34: {  	[sflag:s13] =	ssyncadd.s32 $0xFFFFC000;
	(pc) =	sbr.rel @p0 .LBB2_1-.Ltmp1, $4  }
0x35: {  	[hbm4b:s6+s3] =	stream.linear.scatter [tilespmem:s14], [sflag:$0x2], $0x4000, $0x38;
	[tilespmem:$0x9080] =	vst v63  }
0x36: {  	_ =	swait.ge [sflag:s9], $0x4000  }
0x37: {  	[sflag:s9] =	ssyncset.done $0x0  }
0x38: {  	[sflag:s9] =	ssyncadd.s32 $0xFFFFC000  }
0x39: {  	_ =	sfence.sel $0x180000  }
0x3a: {  	[bflag:$0x0] =	sbarrier.arrive $0xFFFF  }
0x3b: {  	p0 =	sne.s32 s2, $0x0;
	_ =	strace $0x9000004A  }
0x3c: {  	s0 =	sadd.s32 @!p0 $0x100000, s0;
	[bflag:$0x2] =	sbarrier.arrive $0xFFFF  }
0x3d: {  	[sflag:s0] =	ssyncadd.tile.s32 @!p0 $0x1;
	_ =	shalt  }
.Lfunc_end2:
_tile_overlayer_lowered:
.L_overlay_start_2:
0x3e: {  	(tag) =	ssettag $0x2  }
0x3f: {  	s0 =	rddreg [dreg:$0x0];
	s2 =	stileid.u32  }
0x40: {  	s1 =	rddreg [dreg:$0x1];
	p0 =	sne.s32 s2, $0x0  }
0x41: {  	s3 =	rddreg [dreg:$0x2];
	[bflag:$0x3] =	sbarrier.arrive $0xFFFF;
	s2 =	simm.s32 @!p0 $0x1C02  }
0x42: {  	[timem:s3], [sflag:s2] =	dma.local @!p0 [hbm:s0], s1  }
0x43: {  	s0 =	simm.s32 @!p0 $0x2  }
0x44: {  	_ =	swait.ge @!p0 [sflag:s0], s1  }
0x45: {  	s1 =	ssub.s32 @!p0 $0x0, s1;
	[sflag:s0] =	ssyncset.done @!p0 $0x0  }
0x46: {  	[sflag:s0] =	ssyncadd.s32 @!p0 s1  }
0x47: {  	[bflag:$0x3] =	sbarrier.arrive $0xFFFF  }
0x48: {  	_ =	shalt  }

</sc_bundles>
